<compile_context>
chip_gen: v7x
topology: tpu7x:2x2x1
jax: 0.10.2.dev20260603
libtpu: 0.0.44.dev20260713+nightly
codegen_flags: <defaults>
</compile_context>

<pallas_src>
import functools

import jax
import jax.numpy as jnp
from jax import lax
from jax.experimental import pallas as pl
from jax.experimental.pallas import tpu as pltpu
from jax.experimental.pallas import tpu_sc as plsc

_N = 10000
_E = 320000
_D = 128
_G = 64
_BLK = 256
_NBLK = 40
_NP = _NBLK * _BLK
_NTILES = 32
_CHUNK = 128
_NCHUNK = 80
_EP = _NTILES * _NCHUNK * _CHUNK
_RPT = _NP // 16


def _sc_degree(dst3, zeros1, ones1):
    mesh = plsc.VectorSubcoreMesh(core_axis_name="c", subcore_axis_name="s")

    @functools.partial(
        pl.kernel,
        out_type=jax.ShapeDtypeStruct((2, 16, _RPT), jnp.float32),
        mesh=mesh,
        scratch_types=[
            pltpu.VMEM((_NCHUNK, _CHUNK), jnp.int32),
            pltpu.VMEM((_CHUNK,), jnp.float32),
            pltpu.VMEM_SHARED((_NP,), jnp.float32),
            pltpu.SemaphoreType.DMA,
        ],
    )
    def k(dst_hbm, z_hbm, ones_hbm, out_hbm, didx, ones_v, acc, sem):
        cid = lax.axis_index("c")
        sid = lax.axis_index("s")
        wid = cid * 16 + sid
        base = sid * _RPT
        pltpu.sync_copy(z_hbm.at[pl.ds(base, _RPT)], acc.at[pl.ds(base, _RPT)])
        pltpu.sync_copy(dst_hbm.at[wid], didx)
        pltpu.sync_copy(ones_hbm, ones_v)
        plsc.subcore_barrier()

        def body(j, carry):
            pltpu.async_copy(ones_v, acc.at[didx.at[j]], sem, add=True).wait()
            return carry

        lax.fori_loop(0, _NCHUNK, body, 0)
        plsc.subcore_barrier()
        pltpu.sync_copy(acc.at[pl.ds(base, _RPT)], out_hbm.at[cid, sid])

    return k(dst3, zeros1, ones1)


def _sc_aggregate(src3, dst3, g, zeros2):
    mesh = plsc.VectorSubcoreMesh(core_axis_name="c", subcore_axis_name="s")

    @functools.partial(
        pl.kernel,
        out_type=jax.ShapeDtypeStruct((2, 16, _RPT, _D), jnp.float32),
        mesh=mesh,
        scratch_types=[
            pltpu.VMEM((_NCHUNK, _CHUNK), jnp.int32),
            pltpu.VMEM((_NCHUNK, _CHUNK), jnp.int32),
            pltpu.VMEM((_CHUNK, _D), jnp.float32),
            pltpu.VMEM_SHARED((_NP, _D), jnp.float32),
            pltpu.SemaphoreType.DMA,
            pltpu.SemaphoreType.DMA,
        ],
    )
    def k(src_hbm, dst_hbm, g_hbm, z_hbm, out_hbm, sidx, didx, rows, acc,
          sg, ss):
        cid = lax.axis_index("c")
        sid = lax.axis_index("s")
        wid = cid * 16 + sid
        base = sid * _RPT
        pltpu.sync_copy(z_hbm.at[pl.ds(base, _RPT)], acc.at[pl.ds(base, _RPT)])
        pltpu.sync_copy(src_hbm.at[wid], sidx)
        pltpu.sync_copy(dst_hbm.at[wid], didx)
        plsc.subcore_barrier()

        def body(j, carry):
            pltpu.async_copy(g_hbm.at[sidx.at[j]], rows, sg).wait()
            pltpu.async_copy(rows, acc.at[didx.at[j]], ss, add=True).wait()
            return carry

        lax.fori_loop(0, _NCHUNK, body, 0)
        plsc.subcore_barrier()
        pltpu.sync_copy(acc.at[pl.ds(base, _RPT)], out_hbm.at[cid, sid])

    return k(src3, dst3, g, zeros2)


def _tc_prep(x_p, w1, deg_a, deg_b):

    def body(x_ref, w_ref, da_ref, db_ref, g_ref, dinv_ref):
        deg = da_ref[0, 0, :] + db_ref[0, 0, :] + 1.0
        dinv = lax.rsqrt(deg)
        h = jnp.dot(x_ref[...], w_ref[...], preferred_element_type=jnp.float32)
        g_ref[...] = h * dinv[:, None]
        dinv_ref[...] = dinv[None, None, :]

    return pl.pallas_call(
        body,
        grid=(_NBLK,),
        in_specs=[
            pl.BlockSpec((_BLK, _D), lambda i: (i, 0)),
            pl.BlockSpec((_D, _D), lambda i: (0, 0)),
            pl.BlockSpec((1, 1, _BLK), lambda i: (i, 0, 0)),
            pl.BlockSpec((1, 1, _BLK), lambda i: (i, 0, 0)),
        ],
        out_specs=[
            pl.BlockSpec((_BLK, _D), lambda i: (i, 0)),
            pl.BlockSpec((1, 1, _BLK), lambda i: (i, 0, 0)),
        ],
        out_shape=[
            jax.ShapeDtypeStruct((_NP, _D), jnp.float32),
            jax.ShapeDtypeStruct((_NBLK, 1, _BLK), jnp.float32),
        ],
    )(x_p, w1, deg_a, deg_b)


def _tc_layer2(s_a, s_b, g1, dinv2d, b1, w2):

    def body(a_ref, b_ref, g_ref, d_ref, bias_ref, w_ref, out_ref):
        dinv = d_ref[0, 0, :][:, None]
        s = a_ref[...] + b_ref[...] + g_ref[...]
        x2 = jnp.maximum(s * dinv + bias_ref[0, :][None, :], 0.0)
        out_ref[...] = jnp.dot(x2, w_ref[...],
                               preferred_element_type=jnp.float32) * dinv

    return pl.pallas_call(
        body,
        grid=(_NBLK,),
        in_specs=[
            pl.BlockSpec((_BLK, _D), lambda i: (i, 0)),
            pl.BlockSpec((_BLK, _D), lambda i: (i, 0)),
            pl.BlockSpec((_BLK, _D), lambda i: (i, 0)),
            pl.BlockSpec((1, 1, _BLK), lambda i: (i, 0, 0)),
            pl.BlockSpec((1, _D), lambda i: (0, 0)),
            pl.BlockSpec((_D, _D), lambda i: (0, 0)),
        ],
        out_specs=pl.BlockSpec((_BLK, _D), lambda i: (i, 0)),
        out_shape=jax.ShapeDtypeStruct((_NP, _D), jnp.float32),
    )(s_a, s_b, g1, dinv2d, b1, w2)


def _tc_pool(s_a, s_b, g2, dinv2d, b2, batch2d, wlin, blin):

    def body(a_ref, b_ref, g_ref, d_ref, bias_ref, bat_ref, wl_ref, bl_ref,
             out_ref, sums, counts):
        i = pl.program_id(0)
        dinv = d_ref[0, 0, :][:, None]
        s = a_ref[...] + b_ref[...] + g_ref[...]
        h2 = jnp.maximum(s * dinv + bias_ref[0, :][None, :], 0.0)
        seg = lax.broadcasted_iota(jnp.int32, (_G, _BLK), 0)
        onehot = (bat_ref[0, 0, :][None, :] == seg).astype(jnp.float32)

        @pl.when(i == 0)
        def _():
            sums[...] = jnp.zeros_like(sums)
            counts[...] = jnp.zeros_like(counts)

        sums[...] += jnp.dot(onehot, h2, preferred_element_type=jnp.float32)
        counts[...] += jnp.broadcast_to(
            jnp.sum(onehot, axis=1, keepdims=True), (_G, _D))

        @pl.when(i == _NBLK - 1)
        def _():
            pooled = sums[...] / jnp.maximum(counts[...], 1.0)
            out_ref[...] = jnp.dot(
                pooled, wl_ref[...],
                preferred_element_type=jnp.float32) + bl_ref[0, :][None, :]

    return pl.pallas_call(
        body,
        grid=(_NBLK,),
        in_specs=[
            pl.BlockSpec((_BLK, _D), lambda i: (i, 0)),
            pl.BlockSpec((_BLK, _D), lambda i: (i, 0)),
            pl.BlockSpec((_BLK, _D), lambda i: (i, 0)),
            pl.BlockSpec((1, 1, _BLK), lambda i: (i, 0, 0)),
            pl.BlockSpec((1, _D), lambda i: (0, 0)),
            pl.BlockSpec((1, 1, _BLK), lambda i: (i, 0, 0)),
            pl.BlockSpec((_D, _D), lambda i: (0, 0)),
            pl.BlockSpec((1, _D), lambda i: (0, 0)),
        ],
        out_specs=pl.BlockSpec((_G, _D), lambda i: (0, 0)),
        out_shape=jax.ShapeDtypeStruct((_G, _D), jnp.float32),
        scratch_shapes=[
            pltpu.VMEM((_G, _D), jnp.float32),
            pltpu.VMEM((_G, _D), jnp.float32),
        ],
    )(s_a, s_b, g2, dinv2d, b2, batch2d, wlin, blin)


def kernel(x, edge_index, batch, W1, b1, W2, b2, Wlin, blin):
    pad_e = _EP - _E
    src3 = jnp.concatenate(
        [edge_index[0], jnp.full((pad_e,), _N, jnp.int32)]).reshape(
            _NTILES, _NCHUNK, _CHUNK)
    dst3 = jnp.concatenate(
        [edge_index[1], jnp.full((pad_e,), _N, jnp.int32)]).reshape(
            _NTILES, _NCHUNK, _CHUNK)
    x_p = jnp.zeros((_NP, _D), jnp.float32).at[:_N].set(x)
    batch2d = jnp.concatenate(
        [batch, jnp.full((_NP - _N,), _G + 1, jnp.int32)]).reshape(
            _NBLK, 1, _BLK)
    zeros1 = jnp.zeros((_NP,), jnp.float32)
    zeros2 = jnp.zeros((_NP, _D), jnp.float32)
    ones1 = jnp.ones((_CHUNK,), jnp.float32)
    b1r = b1.reshape(1, _D)
    b2r = b2.reshape(1, _D)
    blinr = blin.reshape(1, _D)

    deg2 = _sc_degree(dst3, zeros1, ones1).reshape(2, _NBLK, 1, _BLK)
    g1, dinv2d = _tc_prep(x_p, W1, deg2[0], deg2[1])
    s1 = _sc_aggregate(src3, dst3, g1, zeros2).reshape(2, _NP, _D)
    g2 = _tc_layer2(s1[0], s1[1], g1, dinv2d, b1r, W2)
    s2 = _sc_aggregate(src3, dst3, g2, zeros2).reshape(2, _NP, _D)
    return _tc_pool(s2[0], s2[1], g2, dinv2d, b2r, batch2d, Wlin, blinr)

# --- scband reference (transcript-rebuilt; emitter-appended) ---
"""Pipeline reference for scband-gcn-2layer-11510512353338 (READ-ONLY COPY).

The authoritative reference and input builder live on the scoring server;
editing this copy changes nothing except your own understanding.
"""

import jax, jax.numpy as jnp
import numpy as np

N = 10000
E = 320000
D_IN = 128
D_HID = 128
D_OUT = 128
G = 64


def setup_inputs(seed: int = 0) -> dict:
    key = jax.random.key(seed)
    ks = jax.random.split(key, 10)
    x = jax.random.normal(ks[0], (N, D_IN), dtype=jnp.float32)
    edge_index = jax.random.randint(ks[1], (2, E), 0, N, dtype=jnp.int32)
    batch = jnp.sort(jax.random.randint(ks[2], (N,), 0, G, dtype=jnp.int32))
    W1 = jax.random.normal(ks[3], (D_IN, D_HID), dtype=jnp.float32) * (1.0 / np.sqrt(D_IN))
    b1 = jnp.zeros((D_HID,), dtype=jnp.float32)
    W2 = jax.random.normal(ks[4], (D_HID, D_HID), dtype=jnp.float32) * (1.0 / np.sqrt(D_HID))
    b2 = jnp.zeros((D_HID,), dtype=jnp.float32)
    Wlin = jax.random.normal(ks[5], (D_HID, D_OUT), dtype=jnp.float32) * (1.0 / np.sqrt(D_HID))
    blin = jnp.zeros((D_OUT,), dtype=jnp.float32)
    return {"x": x, "edge_index": edge_index, "batch": batch,
            "W1": W1, "b1": b1, "W2": W2, "b2": b2, "Wlin": Wlin, "blin": blin}


def _gcn_conv(x, W, b, src, dst, num_nodes):
    # PyG GCNConv: h = x @ W; symmetric normalization with self-loops (already in src/dst)
    h = x @ W
    deg = jnp.zeros((num_nodes,), dtype=x.dtype).at[dst].add(1.0)
    dinv = jnp.where(deg > 0, 1.0 / jnp.sqrt(deg), 0.0)
    norm = dinv[src] * dinv[dst]
    msg = h[src] * norm[:, None]
    out = jnp.zeros((num_nodes, h.shape[1]), dtype=h.dtype).at[dst].add(msg)
    return out + b


def reference(x, edge_index, batch, W1, b1, W2, b2, Wlin, blin):
    loop = jnp.arange(N, dtype=edge_index.dtype)
    src = jnp.concatenate([edge_index[0], loop])
    dst = jnp.concatenate([edge_index[1], loop])
    h = jax.nn.relu(_gcn_conv(x, W1, b1, src, dst, N))
    h = jax.nn.relu(_gcn_conv(h, W2, b2, src, dst, N))
    sums = jax.ops.segment_sum(h, batch, num_segments=G)
    counts = jax.ops.segment_sum(jnp.ones((N, 1), dtype=h.dtype), batch, num_segments=G)
    pooled = sums / jnp.maximum(counts, 1.0)
    return pooled @ Wlin + blin

if __name__ == "__main__":
    import jax
    _d = setup_inputs()
    print(jax.jit(kernel)(*tuple(_d.values())))

</pallas_src>

<mosaic_0001>
#map = affine_map<(d0, d1) -> (0, 0, 0)>
#map1 = affine_map<(d0, d1) -> (0, 0)>
#map2 = affine_map<(d0, d1) -> (0, 0, 0, 0)>
module attributes {stable_mosaic.version = 14 : i64} {
  func.func @k(%arg0: i32, %arg1: i32, %arg2: memref<32x80x128xi32, #tpu.memory_space<hbm>>, %arg3: memref<32x80x128xi32, #tpu.memory_space<hbm>>, %arg4: memref<10240x128xf32, #tpu.memory_space<hbm>>, %arg5: memref<10240x128xf32, #tpu.memory_space<hbm>>, %arg6: memref<2x16x640x128xf32, #tpu.memory_space<hbm>>, %arg7: memref<80x128xi32, #tpu.memory_space<vmem>>, %arg8: memref<80x128xi32, #tpu.memory_space<vmem>>, %arg9: memref<128x128xf32, #tpu.memory_space<vmem>>, %arg10: memref<10240x128xf32, #tpu.memory_space<vmem_shared>>, %arg11: memref<!tpu.dma_semaphore, #tpu.memory_space<semaphore_mem>>, %arg12: memref<!tpu.dma_semaphore, #tpu.memory_space<semaphore_mem>>) attributes {dimension_semantics = [#tpu.dimension_semantics<core_parallel>, #tpu.dimension_semantics<subcore_parallel>], iteration_bounds = array<i64: 2, 16>, scalar_prefetch = 0 : i64, scratch_operands = 6 : i64, tpu.core_type = #tpu.core_type<sc_vector_subcore>, window_params = [{transform_indices = #map}, {transform_indices = #map}, {transform_indices = #map1}, {transform_indices = #map1}, {transform_indices = #map2}]} {
    %mul3A = arith.constant 16 : i32
    %mul3A_0 = arith.muli %arg0, %mul3A : i32
    %add3A = arith.addi %mul3A_0, %arg1 : i32
    %mul3A_1 = arith.constant 640 : i32
    %mul3A_2 = arith.muli %arg1, %mul3A_1 : i32
    "tpu.region"() ({
      %run_scoped3A = tpu.sem_alloc : memref<!tpu.dma_semaphore, #tpu.memory_space<semaphore_mem>>
      %dma_start3A = arith.constant 0 : i32
      %dma_start3A_9 = tpu.memref_slice %arg10[%mul3A_2, %dma_start3A] : memref<10240x128xf32, #tpu.memory_space<vmem_shared>> -> memref<640x128xf32, #tpu.memory_space<vmem_shared>>
      %dma_start3A_10 = arith.constant 0 : i32
      %dma_start3A_11 = tpu.memref_slice %arg5[%mul3A_2, %dma_start3A_10] : memref<10240x128xf32, #tpu.memory_space<hbm>> -> memref<640x128xf32, #tpu.memory_space<hbm>>
      tpu.enqueue_dma source(%dma_start3A_11 : memref<640x128xf32, #tpu.memory_space<hbm>>) target(%dma_start3A_9 : memref<640x128xf32, #tpu.memory_space<vmem_shared>>) target_semaphore(%run_scoped3A : memref<!tpu.dma_semaphore, #tpu.memory_space<semaphore_mem>>)
      %dma_wait3A = arith.constant 0 : i32
      %dma_wait3A_12 = tpu.memref_slice %arg10[%mul3A_2, %dma_wait3A] : memref<10240x128xf32, #tpu.memory_space<vmem_shared>> -> memref<640x128xf32, #tpu.memory_space<vmem_shared>>
      %dma_wait3A_13 = arith.constant 0 : i32
      %dma_wait3A_14 = tpu.memref_slice %arg5[%mul3A_2, %dma_wait3A_13] : memref<10240x128xf32, #tpu.memory_space<hbm>> -> memref<640x128xf32, #tpu.memory_space<hbm>>
      tpu.wait_dma2 semaphore(%run_scoped3A : memref<!tpu.dma_semaphore, #tpu.memory_space<semaphore_mem>>) src(%dma_wait3A_14 : memref<640x128xf32, #tpu.memory_space<hbm>>) dst(%dma_wait3A_12 : memref<640x128xf32, #tpu.memory_space<vmem_shared>>)
      tpu.yield
    }) : () -> ()
    "tpu.region"() ({
      %run_scoped3A = tpu.sem_alloc : memref<!tpu.dma_semaphore, #tpu.memory_space<semaphore_mem>>
      %dma_start3A = arith.constant 0 : i32
      %dma_start3A_9 = arith.constant 0 : i32
      %dma_start3A_10 = tpu.memref_slice %arg2[%add3A, %dma_start3A, %dma_start3A_9] : memref<32x80x128xi32, #tpu.memory_space<hbm>> -> memref<1x80x128xi32, #tpu.memory_space<hbm>>
      %dma_start3A_11 = tpu.memref_squeeze %dma_start3A_10 : memref<1x80x128xi32, #tpu.memory_space<hbm>> -> memref<80x128xi32, #tpu.memory_space<hbm>>
      %dma_start3A_12 = arith.constant 0 : i32
      %dma_start3A_13 = arith.constant 0 : i32
      %dma_start3A_14 = tpu.memref_slice %arg2[%add3A, %dma_start3A_12, %dma_start3A_13] : memref<32x80x128xi32, #tpu.memory_space<hbm>> -> memref<1x80x128xi32, #tpu.memory_space<hbm>>
      %dma_start3A_15 = tpu.memref_squeeze %dma_start3A_14 : memref<1x80x128xi32, #tpu.memory_space<hbm>> -> memref<80x128xi32, #tpu.memory_space<hbm>>
      tpu.enqueue_dma source(%dma_start3A_15 : memref<80x128xi32, #tpu.memory_space<hbm>>) target(%arg7 : memref<80x128xi32, #tpu.memory_space<vmem>>) target_semaphore(%run_scoped3A : memref<!tpu.dma_semaphore, #tpu.memory_space<semaphore_mem>>)
      %dma_wait3A = arith.constant 0 : i32
      %dma_wait3A_16 = arith.constant 0 : i32
      %dma_wait3A_17 = tpu.memref_slice %arg2[%add3A, %dma_wait3A, %dma_wait3A_16] : memref<32x80x128xi32, #tpu.memory_space<hbm>> -> memref<1x80x128xi32, #tpu.memory_space<hbm>>
      %dma_wait3A_18 = tpu.memref_squeeze %dma_wait3A_17 : memref<1x80x128xi32, #tpu.memory_space<hbm>> -> memref<80x128xi32, #tpu.memory_space<hbm>>
      %dma_wait3A_19 = arith.constant 0 : i32
      %dma_wait3A_20 = arith.constant 0 : i32
      %dma_wait3A_21 = tpu.memref_slice %arg2[%add3A, %dma_wait3A_19, %dma_wait3A_20] : memref<32x80x128xi32, #tpu.memory_space<hbm>> -> memref<1x80x128xi32, #tpu.memory_space<hbm>>
      %dma_wait3A_22 = tpu.memref_squeeze %dma_wait3A_21 : memref<1x80x128xi32, #tpu.memory_space<hbm>> -> memref<80x128xi32, #tpu.memory_space<hbm>>
      tpu.wait_dma2 semaphore(%run_scoped3A : memref<!tpu.dma_semaphore, #tpu.memory_space<semaphore_mem>>) src(%dma_wait3A_22 : memref<80x128xi32, #tpu.memory_space<hbm>>) dst(%arg7 : memref<80x128xi32, #tpu.memory_space<vmem>>)
      tpu.yield
    }) : () -> ()
    "tpu.region"() ({
      %run_scoped3A = tpu.sem_alloc : memref<!tpu.dma_semaphore, #tpu.memory_space<semaphore_mem>>
      %dma_start3A = arith.constant 0 : i32
      %dma_start3A_9 = arith.constant 0 : i32
      %dma_start3A_10 = tpu.memref_slice %arg3[%add3A, %dma_start3A, %dma_start3A_9] : memref<32x80x128xi32, #tpu.memory_space<hbm>> -> memref<1x80x128xi32, #tpu.memory_space<hbm>>
      %dma_start3A_11 = tpu.memref_squeeze %dma_start3A_10 : memref<1x80x128xi32, #tpu.memory_space<hbm>> -> memref<80x128xi32, #tpu.memory_space<hbm>>
      %dma_start3A_12 = arith.constant 0 : i32
      %dma_start3A_13 = arith.constant 0 : i32
      %dma_start3A_14 = tpu.memref_slice %arg3[%add3A, %dma_start3A_12, %dma_start3A_13] : memref<32x80x128xi32, #tpu.memory_space<hbm>> -> memref<1x80x128xi32, #tpu.memory_space<hbm>>
      %dma_start3A_15 = tpu.memref_squeeze %dma_start3A_14 : memref<1x80x128xi32, #tpu.memory_space<hbm>> -> memref<80x128xi32, #tpu.memory_space<hbm>>
      tpu.enqueue_dma source(%dma_start3A_15 : memref<80x128xi32, #tpu.memory_space<hbm>>) target(%arg8 : memref<80x128xi32, #tpu.memory_space<vmem>>) target_semaphore(%run_scoped3A : memref<!tpu.dma_semaphore, #tpu.memory_space<semaphore_mem>>)
      %dma_wait3A = arith.constant 0 : i32
      %dma_wait3A_16 = arith.constant 0 : i32
      %dma_wait3A_17 = tpu.memref_slice %arg3[%add3A, %dma_wait3A, %dma_wait3A_16] : memref<32x80x128xi32, #tpu.memory_space<hbm>> -> memref<1x80x128xi32, #tpu.memory_space<hbm>>
      %dma_wait3A_18 = tpu.memref_squeeze %dma_wait3A_17 : memref<1x80x128xi32, #tpu.memory_space<hbm>> -> memref<80x128xi32, #tpu.memory_space<hbm>>
      %dma_wait3A_19 = arith.constant 0 : i32
      %dma_wait3A_20 = arith.constant 0 : i32
      %dma_wait3A_21 = tpu.memref_slice %arg3[%add3A, %dma_wait3A_19, %dma_wait3A_20] : memref<32x80x128xi32, #tpu.memory_space<hbm>> -> memref<1x80x128xi32, #tpu.memory_space<hbm>>
      %dma_wait3A_22 = tpu.memref_squeeze %dma_wait3A_21 : memref<1x80x128xi32, #tpu.memory_space<hbm>> -> memref<80x128xi32, #tpu.memory_space<hbm>>
      tpu.wait_dma2 semaphore(%run_scoped3A : memref<!tpu.dma_semaphore, #tpu.memory_space<semaphore_mem>>) src(%dma_wait3A_22 : memref<80x128xi32, #tpu.memory_space<hbm>>) dst(%arg8 : memref<80x128xi32, #tpu.memory_space<vmem>>)
      tpu.yield
    }) : () -> ()
    %barrier3A = arith.constant 0 : index
    tpu.barrier barrier_id(%barrier3A)
    %scan3A = arith.constant 0 : i32
    %scan3A_3 = arith.constant 0 : i32
    %scan3A_4 = arith.constant 80 : i32
    %scan3A_5 = arith.addi %scan3A_3, %scan3A_4 : i32
    %scan3A_6 = arith.constant 1 : i32
    scf.for %scan3A_9 = %scan3A_3 to %scan3A_5 step %scan3A_6  : i32 {
      %dma_start3A = arith.constant 0 : i32
      %dma_start3A_10 = tpu.memref_slice %arg7[%scan3A_9, %dma_start3A] : memref<80x128xi32, #tpu.memory_space<vmem>> -> memref<1x128xi32, #tpu.memory_space<vmem>>
      %dma_start3A_11 = tpu.memref_squeeze %dma_start3A_10 : memref<1x128xi32, #tpu.memory_space<vmem>> -> memref<128xi32, #tpu.memory_space<vmem>>
      %dma_start3A_12 = arith.constant 0 : i32
      %dma_start3A_13 = arith.constant 0 : i32
      %dma_start3A_14 = tpu.memref_slice %arg4[%dma_start3A_12, %dma_start3A_13] : memref<10240x128xf32, #tpu.memory_space<hbm>> -> memref<10240x128xf32, #tpu.memory_space<hbm>>
      tpu.enqueue_indirect_dma source(%dma_start3A_14 : memref<10240x128xf32, #tpu.memory_space<hbm>>) target(%arg9 : memref<128x128xf32, #tpu.memory_space<vmem>>) offsets(%dma_start3A_11 : memref<128xi32, #tpu.memory_space<vmem>>) semaphore(%arg11 : memref<!tpu.dma_semaphore, #tpu.memory_space<semaphore_mem>>)
      %dma_wait3A = arith.constant 0 : i32
      %dma_wait3A_15 = tpu.memref_slice %arg7[%scan3A_9, %dma_wait3A] : memref<80x128xi32, #tpu.memory_space<vmem>> -> memref<1x128xi32, #tpu.memory_space<vmem>>
      %dma_wait3A_16 = tpu.memref_squeeze %dma_wait3A_15 : memref<1x128xi32, #tpu.memory_space<vmem>> -> memref<128xi32, #tpu.memory_space<vmem>>
      %dma_wait3A_17 = arith.constant 0 : i32
      %dma_wait3A_18 = arith.constant 0 : i32
      %dma_wait3A_19 = tpu.memref_slice %arg4[%dma_wait3A_17, %dma_wait3A_18] : memref<10240x128xf32, #tpu.memory_space<hbm>> -> memref<10240x128xf32, #tpu.memory_space<hbm>>
      tpu.wait_indirect_dma semaphore(%arg11 : memref<!tpu.dma_semaphore, #tpu.memory_space<semaphore_mem>>) src(%dma_wait3A_19 : memref<10240x128xf32, #tpu.memory_space<hbm>>) dst(%arg9 : memref<128x128xf32, #tpu.memory_space<vmem>>)
      %dma_start3A_20 = arith.constant 0 : i32
      %dma_start3A_21 = tpu.memref_slice %arg8[%scan3A_9, %dma_start3A_20] : memref<80x128xi32, #tpu.memory_space<vmem>> -> memref<1x128xi32, #tpu.memory_space<vmem>>
      %dma_start3A_22 = tpu.memref_squeeze %dma_start3A_21 : memref<1x128xi32, #tpu.memory_space<vmem>> -> memref<128xi32, #tpu.memory_space<vmem>>
      %dma_start3A_23 = arith.constant 0 : i32
      %dma_start3A_24 = arith.constant 0 : i32
      %dma_start3A_25 = tpu.memref_slice %arg10[%dma_start3A_23, %dma_start3A_24] : memref<10240x128xf32, #tpu.memory_space<vmem_shared>> -> memref<10240x128xf32, #tpu.memory_space<vmem_shared>>
      tpu.enqueue_indirect_dma source(%arg9 : memref<128x128xf32, #tpu.memory_space<vmem>>) target(%dma_start3A_25 : memref<10240x128xf32, #tpu.memory_space<vmem_shared>>) offsets(%dma_start3A_22 : memref<128xi32, #tpu.memory_space<vmem>>) semaphore(%arg12 : memref<!tpu.dma_semaphore, #tpu.memory_space<semaphore_mem>>) {add = true}
      %dma_wait3A_26 = arith.constant 0 : i32
      %dma_wait3A_27 = tpu.memref_slice %arg8[%scan3A_9, %dma_wait3A_26] : memref<80x128xi32, #tpu.memory_space<vmem>> -> memref<1x128xi32, #tpu.memory_space<vmem>>
      %dma_wait3A_28 = tpu.memref_squeeze %dma_wait3A_27 : memref<1x128xi32, #tpu.memory_space<vmem>> -> memref<128xi32, #tpu.memory_space<vmem>>
      %dma_wait3A_29 = arith.constant 0 : i32
      %dma_wait3A_30 = arith.constant 0 : i32
      %dma_wait3A_31 = tpu.memref_slice %arg10[%dma_wait3A_29, %dma_wait3A_30] : memref<10240x128xf32, #tpu.memory_space<vmem_shared>> -> memref<10240x128xf32, #tpu.memory_space<vmem_shared>>
      tpu.wait_indirect_dma semaphore(%arg12 : memref<!tpu.dma_semaphore, #tpu.memory_space<semaphore_mem>>) src(%arg9 : memref<128x128xf32, #tpu.memory_space<vmem>>) dst(%dma_wait3A_31 : memref<10240x128xf32, #tpu.memory_space<vmem_shared>>)
    }
    %scan3A_7 = arith.constant 80 : i32
    %barrier3A_8 = arith.constant 0 : index
    tpu.barrier barrier_id(%barrier3A_8)
    "tpu.region"() ({
      %run_scoped3A = tpu.sem_alloc : memref<!tpu.dma_semaphore, #tpu.memory_space<semaphore_mem>>
      %dma_start3A = arith.constant 0 : i32
      %dma_start3A_9 = arith.constant 0 : i32
      %dma_start3A_10 = tpu.memref_slice %arg6[%arg0, %arg1, %dma_start3A, %dma_start3A_9] : memref<2x16x640x128xf32, #tpu.memory_space<hbm>> -> memref<1x1x640x128xf32, #tpu.memory_space<hbm>>
      %dma_start3A_11 = tpu.memref_squeeze %dma_start3A_10 : memref<1x1x640x128xf32, #tpu.memory_space<hbm>> -> memref<640x128xf32, #tpu.memory_space<hbm>>
      %dma_start3A_12 = arith.constant 0 : i32
      %dma_start3A_13 = tpu.memref_slice %arg10[%mul3A_2, %dma_start3A_12] : memref<10240x128xf32, #tpu.memory_space<vmem_shared>> -> memref<640x128xf32, #tpu.memory_space<vmem_shared>>
      tpu.enqueue_dma source(%dma_start3A_13 : memref<640x128xf32, #tpu.memory_space<vmem_shared>>) target(%dma_start3A_11 : memref<640x128xf32, #tpu.memory_space<hbm>>) target_semaphore(%run_scoped3A : memref<!tpu.dma_semaphore, #tpu.memory_space<semaphore_mem>>)
      %dma_wait3A = arith.constant 0 : i32
      %dma_wait3A_14 = arith.constant 0 : i32
      %dma_wait3A_15 = tpu.memref_slice %arg6[%arg0, %arg1, %dma_wait3A, %dma_wait3A_14] : memref<2x16x640x128xf32, #tpu.memory_space<hbm>> -> memref<1x1x640x128xf32, #tpu.memory_space<hbm>>
      %dma_wait3A_16 = tpu.memref_squeeze %dma_wait3A_15 : memref<1x1x640x128xf32, #tpu.memory_space<hbm>> -> memref<640x128xf32, #tpu.memory_space<hbm>>
      %dma_wait3A_17 = arith.constant 0 : i32
      %dma_wait3A_18 = tpu.memref_slice %arg10[%mul3A_2, %dma_wait3A_17] : memref<10240x128xf32, #tpu.memory_space<vmem_shared>> -> memref<640x128xf32, #tpu.memory_space<vmem_shared>>
      tpu.wait_dma2 semaphore(%run_scoped3A : memref<!tpu.dma_semaphore, #tpu.memory_space<semaphore_mem>>) src(%dma_wait3A_18 : memref<640x128xf32, #tpu.memory_space<vmem_shared>>) dst(%dma_wait3A_16 : memref<640x128xf32, #tpu.memory_space<hbm>>)
      tpu.yield
    }) : () -> ()
    return
  }
}

#map = affine_map<(d0, d1) -> (0, 0, 0)>
#map1 = affine_map<(d0, d1) -> (0)>
module attributes {stable_mosaic.version = 14 : i64} {
  func.func @k(%arg0: i32, %arg1: i32, %arg2: memref<32x80x128xi32, #tpu.memory_space<hbm>>, %arg3: memref<10240xf32, #tpu.memory_space<hbm>>, %arg4: memref<128xf32, #tpu.memory_space<hbm>>, %arg5: memref<2x16x640xf32, #tpu.memory_space<hbm>>, %arg6: memref<80x128xi32, #tpu.memory_space<vmem>>, %arg7: memref<128xf32, #tpu.memory_space<vmem>>, %arg8: memref<10240xf32, #tpu.memory_space<vmem_shared>>, %arg9: memref<!tpu.dma_semaphore, #tpu.memory_space<semaphore_mem>>) attributes {dimension_semantics = [#tpu.dimension_semantics<core_parallel>, #tpu.dimension_semantics<subcore_parallel>], iteration_bounds = array<i64: 2, 16>, scalar_prefetch = 0 : i64, scratch_operands = 4 : i64, tpu.core_type = #tpu.core_type<sc_vector_subcore>, window_params = [{transform_indices = #map}, {transform_indices = #map1}, {transform_indices = #map1}, {transform_indices = #map}]} {
    %mul3A = arith.constant 16 : i32
    %mul3A_0 = arith.muli %arg0, %mul3A : i32
    %add3A = arith.addi %mul3A_0, %arg1 : i32
    %mul3A_1 = arith.constant 640 : i32
    %mul3A_2 = arith.muli %arg1, %mul3A_1 : i32
    "tpu.region"() ({
      %run_scoped3A = tpu.sem_alloc : memref<!tpu.dma_semaphore, #tpu.memory_space<semaphore_mem>>
      %dma_start3A = tpu.memref_slice %arg8[%mul3A_2] : memref<10240xf32, #tpu.memory_space<vmem_shared>> -> memref<640xf32, #tpu.memory_space<vmem_shared>>
      %dma_start3A_9 = tpu.memref_slice %arg3[%mul3A_2] : memref<10240xf32, #tpu.memory_space<hbm>> -> memref<640xf32, #tpu.memory_space<hbm>>
      tpu.enqueue_dma source(%dma_start3A_9 : memref<640xf32, #tpu.memory_space<hbm>>) target(%dma_start3A : memref<640xf32, #tpu.memory_space<vmem_shared>>) target_semaphore(%run_scoped3A : memref<!tpu.dma_semaphore, #tpu.memory_space<semaphore_mem>>)
      %dma_wait3A = tpu.memref_slice %arg8[%mul3A_2] : memref<10240xf32, #tpu.memory_space<vmem_shared>> -> memref<640xf32, #tpu.memory_space<vmem_shared>>
      %dma_wait3A_10 = tpu.memref_slice %arg3[%mul3A_2] : memref<10240xf32, #tpu.memory_space<hbm>> -> memref<640xf32, #tpu.memory_space<hbm>>
      tpu.wait_dma2 semaphore(%run_scoped3A : memref<!tpu.dma_semaphore, #tpu.memory_space<semaphore_mem>>) src(%dma_wait3A_10 : memref<640xf32, #tpu.memory_space<hbm>>) dst(%dma_wait3A : memref<640xf32, #tpu.memory_space<vmem_shared>>)
      tpu.yield
    }) : () -> ()
    "tpu.region"() ({
      %run_scoped3A = tpu.sem_alloc : memref<!tpu.dma_semaphore, #tpu.memory_space<semaphore_mem>>
      %dma_start3A = arith.constant 0 : i32
      %dma_start3A_9 = arith.constant 0 : i32
      %dma_start3A_10 = tpu.memref_slice %arg2[%add3A, %dma_start3A, %dma_start3A_9] : memref<32x80x128xi32, #tpu.memory_space<hbm>> -> memref<1x80x128xi32, #tpu.memory_space<hbm>>
      %dma_start3A_11 = tpu.memref_squeeze %dma_start3A_10 : memref<1x80x128xi32, #tpu.memory_space<hbm>> -> memref<80x128xi32, #tpu.memory_space<hbm>>
      %dma_start3A_12 = arith.constant 0 : i32
      %dma_start3A_13 = arith.constant 0 : i32
      %dma_start3A_14 = tpu.memref_slice %arg2[%add3A, %dma_start3A_12, %dma_start3A_13] : memref<32x80x128xi32, #tpu.memory_space<hbm>> -> memref<1x80x128xi32, #tpu.memory_space<hbm>>
      %dma_start3A_15 = tpu.memref_squeeze %dma_start3A_14 : memref<1x80x128xi32, #tpu.memory_space<hbm>> -> memref<80x128xi32, #tpu.memory_space<hbm>>
      tpu.enqueue_dma source(%dma_start3A_15 : memref<80x128xi32, #tpu.memory_space<hbm>>) target(%arg6 : memref<80x128xi32, #tpu.memory_space<vmem>>) target_semaphore(%run_scoped3A : memref<!tpu.dma_semaphore, #tpu.memory_space<semaphore_mem>>)
      %dma_wait3A = arith.constant 0 : i32
      %dma_wait3A_16 = arith.constant 0 : i32
      %dma_wait3A_17 = tpu.memref_slice %arg2[%add3A, %dma_wait3A, %dma_wait3A_16] : memref<32x80x128xi32, #tpu.memory_space<hbm>> -> memref<1x80x128xi32, #tpu.memory_space<hbm>>
      %dma_wait3A_18 = tpu.memref_squeeze %dma_wait3A_17 : memref<1x80x128xi32, #tpu.memory_space<hbm>> -> memref<80x128xi32, #tpu.memory_space<hbm>>
      %dma_wait3A_19 = arith.constant 0 : i32
      %dma_wait3A_20 = arith.constant 0 : i32
      %dma_wait3A_21 = tpu.memref_slice %arg2[%add3A, %dma_wait3A_19, %dma_wait3A_20] : memref<32x80x128xi32, #tpu.memory_space<hbm>> -> memref<1x80x128xi32, #tpu.memory_space<hbm>>
      %dma_wait3A_22 = tpu.memref_squeeze %dma_wait3A_21 : memref<1x80x128xi32, #tpu.memory_space<hbm>> -> memref<80x128xi32, #tpu.memory_space<hbm>>
      tpu.wait_dma2 semaphore(%run_scoped3A : memref<!tpu.dma_semaphore, #tpu.memory_space<semaphore_mem>>) src(%dma_wait3A_22 : memref<80x128xi32, #tpu.memory_space<hbm>>) dst(%arg6 : memref<80x128xi32, #tpu.memory_space<vmem>>)
      tpu.yield
    }) : () -> ()
    "tpu.region"() ({
      %run_scoped3A = tpu.sem_alloc : memref<!tpu.dma_semaphore, #tpu.memory_space<semaphore_mem>>
      tpu.enqueue_dma source(%arg4 : memref<128xf32, #tpu.memory_space<hbm>>) target(%arg7 : memref<128xf32, #tpu.memory_space<vmem>>) target_semaphore(%run_scoped3A : memref<!tpu.dma_semaphore, #tpu.memory_space<semaphore_mem>>)
      tpu.wait_dma2 semaphore(%run_scoped3A : memref<!tpu.dma_semaphore, #tpu.memory_space<semaphore_mem>>) src(%arg4 : memref<128xf32, #tpu.memory_space<hbm>>) dst(%arg7 : memref<128xf32, #tpu.memory_space<vmem>>)
      tpu.yield
    }) : () -> ()
    %barrier3A = arith.constant 0 : index
    tpu.barrier barrier_id(%barrier3A)
    %scan3A = arith.constant 0 : i32
    %scan3A_3 = arith.constant 0 : i32
    %scan3A_4 = arith.constant 80 : i32
    %scan3A_5 = arith.addi %scan3A_3, %scan3A_4 : i32
    %scan3A_6 = arith.constant 1 : i32
    scf.for %scan3A_9 = %scan3A_3 to %scan3A_5 step %scan3A_6  : i32 {
      %dma_start3A = arith.constant 0 : i32
      %dma_start3A_10 = tpu.memref_slice %arg6[%scan3A_9, %dma_start3A] : memref<80x128xi32, #tpu.memory_space<vmem>> -> memref<1x128xi32, #tpu.memory_space<vmem>>
      %dma_start3A_11 = tpu.memref_squeeze %dma_start3A_10 : memref<1x128xi32, #tpu.memory_space<vmem>> -> memref<128xi32, #tpu.memory_space<vmem>>
      %dma_start3A_12 = arith.constant 0 : i32
      %dma_start3A_13 = tpu.memref_slice %arg8[%dma_start3A_12] : memref<10240xf32, #tpu.memory_space<vmem_shared>> -> memref<10240xf32, #tpu.memory_space<vmem_shared>>
      tpu.enqueue_indirect_dma source(%arg7 : memref<128xf32, #tpu.memory_space<vmem>>) target(%dma_start3A_13 : memref<10240xf32, #tpu.memory_space<vmem_shared>>) offsets(%dma_start3A_11 : memref<128xi32, #tpu.memory_space<vmem>>) semaphore(%arg9 : memref<!tpu.dma_semaphore, #tpu.memory_space<semaphore_mem>>) {add = true}
      %dma_wait3A = arith.constant 0 : i32
      %dma_wait3A_14 = tpu.memref_slice %arg6[%scan3A_9, %dma_wait3A] : memref<80x128xi32, #tpu.memory_space<vmem>> -> memref<1x128xi32, #tpu.memory_space<vmem>>
      %dma_wait3A_15 = tpu.memref_squeeze %dma_wait3A_14 : memref<1x128xi32, #tpu.memory_space<vmem>> -> memref<128xi32, #tpu.memory_space<vmem>>
      %dma_wait3A_16 = arith.constant 0 : i32
      %dma_wait3A_17 = tpu.memref_slice %arg8[%dma_wait3A_16] : memref<10240xf32, #tpu.memory_space<vmem_shared>> -> memref<10240xf32, #tpu.memory_space<vmem_shared>>
      tpu.wait_indirect_dma semaphore(%arg9 : memref<!tpu.dma_semaphore, #tpu.memory_space<semaphore_mem>>) src(%arg7 : memref<128xf32, #tpu.memory_space<vmem>>) dst(%dma_wait3A_17 : memref<10240xf32, #tpu.memory_space<vmem_shared>>)
    }
    %scan3A_7 = arith.constant 80 : i32
    %barrier3A_8 = arith.constant 0 : index
    tpu.barrier barrier_id(%barrier3A_8)
    "tpu.region"() ({
      %run_scoped3A = tpu.sem_alloc : memref<!tpu.dma_semaphore, #tpu.memory_space<semaphore_mem>>
      %dma_start3A = arith.constant 0 : i32
      %dma_start3A_9 = tpu.memref_slice %arg5[%arg0, %arg1, %dma_start3A] : memref<2x16x640xf32, #tpu.memory_space<hbm>> -> memref<1x1x640xf32, #tpu.memory_space<hbm>>
      %dma_start3A_10 = tpu.memref_squeeze %dma_start3A_9 : memref<1x1x640xf32, #tpu.memory_space<hbm>> -> memref<640xf32, #tpu.memory_space<hbm>>
      %dma_start3A_11 = tpu.memref_slice %arg8[%mul3A_2] : memref<10240xf32, #tpu.memory_space<vmem_shared>> -> memref<640xf32, #tpu.memory_space<vmem_shared>>
      tpu.enqueue_dma source(%dma_start3A_11 : memref<640xf32, #tpu.memory_space<vmem_shared>>) target(%dma_start3A_10 : memref<640xf32, #tpu.memory_space<hbm>>) target_semaphore(%run_scoped3A : memref<!tpu.dma_semaphore, #tpu.memory_space<semaphore_mem>>)
      %dma_wait3A = arith.constant 0 : i32
      %dma_wait3A_12 = tpu.memref_slice %arg5[%arg0, %arg1, %dma_wait3A] : memref<2x16x640xf32, #tpu.memory_space<hbm>> -> memref<1x1x640xf32, #tpu.memory_space<hbm>>
      %dma_wait3A_13 = tpu.memref_squeeze %dma_wait3A_12 : memref<1x1x640xf32, #tpu.memory_space<hbm>> -> memref<640xf32, #tpu.memory_space<hbm>>
      %dma_wait3A_14 = tpu.memref_slice %arg8[%mul3A_2] : memref<10240xf32, #tpu.memory_space<vmem_shared>> -> memref<640xf32, #tpu.memory_space<vmem_shared>>
      tpu.wait_dma2 semaphore(%run_scoped3A : memref<!tpu.dma_semaphore, #tpu.memory_space<semaphore_mem>>) src(%dma_wait3A_14 : memref<640xf32, #tpu.memory_space<vmem_shared>>) dst(%dma_wait3A_13 : memref<640xf32, #tpu.memory_space<hbm>>)
      tpu.yield
    }) : () -> ()
    return
  }
}

#map = affine_map<(d0, d1) -> (0, 0, 0)>
#map1 = affine_map<(d0, d1) -> (0, 0)>
#map2 = affine_map<(d0, d1) -> (0, 0, 0, 0)>
module attributes {stable_mosaic.version = 14 : i64} {
  func.func @k(%arg0: i32, %arg1: i32, %arg2: memref<32x80x128xi32, #tpu.memory_space<hbm>>, %arg3: memref<32x80x128xi32, #tpu.memory_space<hbm>>, %arg4: memref<10240x128xf32, #tpu.memory_space<hbm>>, %arg5: memref<10240x128xf32, #tpu.memory_space<hbm>>, %arg6: memref<2x16x640x128xf32, #tpu.memory_space<hbm>>, %arg7: memref<80x128xi32, #tpu.memory_space<vmem>>, %arg8: memref<80x128xi32, #tpu.memory_space<vmem>>, %arg9: memref<128x128xf32, #tpu.memory_space<vmem>>, %arg10: memref<10240x128xf32, #tpu.memory_space<vmem_shared>>, %arg11: memref<!tpu.dma_semaphore, #tpu.memory_space<semaphore_mem>>, %arg12: memref<!tpu.dma_semaphore, #tpu.memory_space<semaphore_mem>>) attributes {dimension_semantics = [#tpu.dimension_semantics<core_parallel>, #tpu.dimension_semantics<subcore_parallel>], iteration_bounds = array<i64: 2, 16>, scalar_prefetch = 0 : i64, scratch_operands = 6 : i64, tpu.core_type = #tpu.core_type<sc_vector_subcore>, window_params = [{transform_indices = #map}, {transform_indices = #map}, {transform_indices = #map1}, {transform_indices = #map1}, {transform_indices = #map2}]} {
    %mul3A = arith.constant 16 : i32
    %mul3A_0 = arith.muli %arg0, %mul3A : i32
    %add3A = arith.addi %mul3A_0, %arg1 : i32
    %mul3A_1 = arith.constant 640 : i32
    %mul3A_2 = arith.muli %arg1, %mul3A_1 : i32
    "tpu.region"() ({
      %run_scoped3A = tpu.sem_alloc : memref<!tpu.dma_semaphore, #tpu.memory_space<semaphore_mem>>
      %dma_start3A = arith.constant 0 : i32
      %dma_start3A_9 = tpu.memref_slice %arg10[%mul3A_2, %dma_start3A] : memref<10240x128xf32, #tpu.memory_space<vmem_shared>> -> memref<640x128xf32, #tpu.memory_space<vmem_shared>>
      %dma_start3A_10 = arith.constant 0 : i32
      %dma_start3A_11 = tpu.memref_slice %arg5[%mul3A_2, %dma_start3A_10] : memref<10240x128xf32, #tpu.memory_space<hbm>> -> memref<640x128xf32, #tpu.memory_space<hbm>>
      tpu.enqueue_dma source(%dma_start3A_11 : memref<640x128xf32, #tpu.memory_space<hbm>>) target(%dma_start3A_9 : memref<640x128xf32, #tpu.memory_space<vmem_shared>>) target_semaphore(%run_scoped3A : memref<!tpu.dma_semaphore, #tpu.memory_space<semaphore_mem>>)
      %dma_wait3A = arith.constant 0 : i32
      %dma_wait3A_12 = tpu.memref_slice %arg10[%mul3A_2, %dma_wait3A] : memref<10240x128xf32, #tpu.memory_space<vmem_shared>> -> memref<640x128xf32, #tpu.memory_space<vmem_shared>>
      %dma_wait3A_13 = arith.constant 0 : i32
      %dma_wait3A_14 = tpu.memref_slice %arg5[%mul3A_2, %dma_wait3A_13] : memref<10240x128xf32, #tpu.memory_space<hbm>> -> memref<640x128xf32, #tpu.memory_space<hbm>>
      tpu.wait_dma2 semaphore(%run_scoped3A : memref<!tpu.dma_semaphore, #tpu.memory_space<semaphore_mem>>) src(%dma_wait3A_14 : memref<640x128xf32, #tpu.memory_space<hbm>>) dst(%dma_wait3A_12 : memref<640x128xf32, #tpu.memory_space<vmem_shared>>)
      tpu.yield
    }) : () -> ()
    "tpu.region"() ({
      %run_scoped3A = tpu.sem_alloc : memref<!tpu.dma_semaphore, #tpu.memory_space<semaphore_mem>>
      %dma_start3A = arith.constant 0 : i32
      %dma_start3A_9 = arith.constant 0 : i32
      %dma_start3A_10 = tpu.memref_slice %arg2[%add3A, %dma_start3A, %dma_start3A_9] : memref<32x80x128xi32, #tpu.memory_space<hbm>> -> memref<1x80x128xi32, #tpu.memory_space<hbm>>
      %dma_start3A_11 = tpu.memref_squeeze %dma_start3A_10 : memref<1x80x128xi32, #tpu.memory_space<hbm>> -> memref<80x128xi32, #tpu.memory_space<hbm>>
      %dma_start3A_12 = arith.constant 0 : i32
      %dma_start3A_13 = arith.constant 0 : i32
      %dma_start3A_14 = tpu.memref_slice %arg2[%add3A, %dma_start3A_12, %dma_start3A_13] : memref<32x80x128xi32, #tpu.memory_space<hbm>> -> memref<1x80x128xi32, #tpu.memory_space<hbm>>
      %dma_start3A_15 = tpu.memref_squeeze %dma_start3A_14 : memref<1x80x128xi32, #tpu.memory_space<hbm>> -> memref<80x128xi32, #tpu.memory_space<hbm>>
      tpu.enqueue_dma source(%dma_start3A_15 : memref<80x128xi32, #tpu.memory_space<hbm>>) target(%arg7 : memref<80x128xi32, #tpu.memory_space<vmem>>) target_semaphore(%run_scoped3A : memref<!tpu.dma_semaphore, #tpu.memory_space<semaphore_mem>>)
      %dma_wait3A = arith.constant 0 : i32
      %dma_wait3A_16 = arith.constant 0 : i32
      %dma_wait3A_17 = tpu.memref_slice %arg2[%add3A, %dma_wait3A, %dma_wait3A_16] : memref<32x80x128xi32, #tpu.memory_space<hbm>> -> memref<1x80x128xi32, #tpu.memory_space<hbm>>
      %dma_wait3A_18 = tpu.memref_squeeze %dma_wait3A_17 : memref<1x80x128xi32, #tpu.memory_space<hbm>> -> memref<80x128xi32, #tpu.memory_space<hbm>>
      %dma_wait3A_19 = arith.constant 0 : i32
      %dma_wait3A_20 = arith.constant 0 : i32
      %dma_wait3A_21 = tpu.memref_slice %arg2[%add3A, %dma_wait3A_19, %dma_wait3A_20] : memref<32x80x128xi32, #tpu.memory_space<hbm>> -> memref<1x80x128xi32, #tpu.memory_space<hbm>>
      %dma_wait3A_22 = tpu.memref_squeeze %dma_wait3A_21 : memref<1x80x128xi32, #tpu.memory_space<hbm>> -> memref<80x128xi32, #tpu.memory_space<hbm>>
      tpu.wait_dma2 semaphore(%run_scoped3A : memref<!tpu.dma_semaphore, #tpu.memory_space<semaphore_mem>>) src(%dma_wait3A_22 : memref<80x128xi32, #tpu.memory_space<hbm>>) dst(%arg7 : memref<80x128xi32, #tpu.memory_space<vmem>>)
      tpu.yield
    }) : () -> ()
    "tpu.region"() ({
      %run_scoped3A = tpu.sem_alloc : memref<!tpu.dma_semaphore, #tpu.memory_space<semaphore_mem>>
      %dma_start3A = arith.constant 0 : i32
      %dma_start3A_9 = arith.constant 0 : i32
      %dma_start3A_10 = tpu.memref_slice %arg3[%add3A, %dma_start3A, %dma_start3A_9] : memref<32x80x128xi32, #tpu.memory_space<hbm>> -> memref<1x80x128xi32, #tpu.memory_space<hbm>>
      %dma_start3A_11 = tpu.memref_squeeze %dma_start3A_10 : memref<1x80x128xi32, #tpu.memory_space<hbm>> -> memref<80x128xi32, #tpu.memory_space<hbm>>
      %dma_start3A_12 = arith.constant 0 : i32
      %dma_start3A_13 = arith.constant 0 : i32
      %dma_start3A_14 = tpu.memref_slice %arg3[%add3A, %dma_start3A_12, %dma_start3A_13] : memref<32x80x128xi32, #tpu.memory_space<hbm>> -> memref<1x80x128xi32, #tpu.memory_space<hbm>>
      %dma_start3A_15 = tpu.memref_squeeze %dma_start3A_14 : memref<1x80x128xi32, #tpu.memory_space<hbm>> -> memref<80x128xi32, #tpu.memory_space<hbm>>
      tpu.enqueue_dma source(%dma_start3A_15 : memref<80x128xi32, #tpu.memory_space<hbm>>) target(%arg8 : memref<80x128xi32, #tpu.memory_space<vmem>>) target_semaphore(%run_scoped3A : memref<!tpu.dma_semaphore, #tpu.memory_space<semaphore_mem>>)
      %dma_wait3A = arith.constant 0 : i32
      %dma_wait3A_16 = arith.constant 0 : i32
      %dma_wait3A_17 = tpu.memref_slice %arg3[%add3A, %dma_wait3A, %dma_wait3A_16] : memref<32x80x128xi32, #tpu.memory_space<hbm>> -> memref<1x80x128xi32, #tpu.memory_space<hbm>>
      %dma_wait3A_18 = tpu.memref_squeeze %dma_wait3A_17 : memref<1x80x128xi32, #tpu.memory_space<hbm>> -> memref<80x128xi32, #tpu.memory_space<hbm>>
      %dma_wait3A_19 = arith.constant 0 : i32
      %dma_wait3A_20 = arith.constant 0 : i32
      %dma_wait3A_21 = tpu.memref_slice %arg3[%add3A, %dma_wait3A_19, %dma_wait3A_20] : memref<32x80x128xi32, #tpu.memory_space<hbm>> -> memref<1x80x128xi32, #tpu.memory_space<hbm>>
      %dma_wait3A_22 = tpu.memref_squeeze %dma_wait3A_21 : memref<1x80x128xi32, #tpu.memory_space<hbm>> -> memref<80x128xi32, #tpu.memory_space<hbm>>
      tpu.wait_dma2 semaphore(%run_scoped3A : memref<!tpu.dma_semaphore, #tpu.memory_space<semaphore_mem>>) src(%dma_wait3A_22 : memref<80x128xi32, #tpu.memory_space<hbm>>) dst(%arg8 : memref<80x128xi32, #tpu.memory_space<vmem>>)
      tpu.yield
    }) : () -> ()
    %barrier3A = arith.constant 0 : index
    tpu.barrier barrier_id(%barrier3A)
    %scan3A = arith.constant 0 : i32
    %scan3A_3 = arith.constant 0 : i32
    %scan3A_4 = arith.constant 80 : i32
    %scan3A_5 = arith.addi %scan3A_3, %scan3A_4 : i32
    %scan3A_6 = arith.constant 1 : i32
    scf.for %scan3A_9 = %scan3A_3 to %scan3A_5 step %scan3A_6  : i32 {
      %dma_start3A = arith.constant 0 : i32
      %dma_start3A_10 = tpu.memref_slice %arg7[%scan3A_9, %dma_start3A] : memref<80x128xi32, #tpu.memory_space<vmem>> -> memref<1x128xi32, #tpu.memory_space<vmem>>
      %dma_start3A_11 = tpu.memref_squeeze %dma_start3A_10 : memref<1x128xi32, #tpu.memory_space<vmem>> -> memref<128xi32, #tpu.memory_space<vmem>>
      %dma_start3A_12 = arith.constant 0 : i32
      %dma_start3A_13 = arith.constant 0 : i32
      %dma_start3A_14 = tpu.memref_slice %arg4[%dma_start3A_12, %dma_start3A_13] : memref<10240x128xf32, #tpu.memory_space<hbm>> -> memref<10240x128xf32, #tpu.memory_space<hbm>>
      tpu.enqueue_indirect_dma source(%dma_start3A_14 : memref<10240x128xf32, #tpu.memory_space<hbm>>) target(%arg9 : memref<128x128xf32, #tpu.memory_space<vmem>>) offsets(%dma_start3A_11 : memref<128xi32, #tpu.memory_space<vmem>>) semaphore(%arg11 : memref<!tpu.dma_semaphore, #tpu.memory_space<semaphore_mem>>)
      %dma_wait3A = arith.constant 0 : i32
      %dma_wait3A_15 = tpu.memref_slice %arg7[%scan3A_9, %dma_wait3A] : memref<80x128xi32, #tpu.memory_space<vmem>> -> memref<1x128xi32, #tpu.memory_space<vmem>>
      %dma_wait3A_16 = tpu.memref_squeeze %dma_wait3A_15 : memref<1x128xi32, #tpu.memory_space<vmem>> -> memref<128xi32, #tpu.memory_space<vmem>>
      %dma_wait3A_17 = arith.constant 0 : i32
      %dma_wait3A_18 = arith.constant 0 : i32
      %dma_wait3A_19 = tpu.memref_slice %arg4[%dma_wait3A_17, %dma_wait3A_18] : memref<10240x128xf32, #tpu.memory_space<hbm>> -> memref<10240x128xf32, #tpu.memory_space<hbm>>
      tpu.wait_indirect_dma semaphore(%arg11 : memref<!tpu.dma_semaphore, #tpu.memory_space<semaphore_mem>>) src(%dma_wait3A_19 : memref<10240x128xf32, #tpu.memory_space<hbm>>) dst(%arg9 : memref<128x128xf32, #tpu.memory_space<vmem>>)
      %dma_start3A_20 = arith.constant 0 : i32
      %dma_start3A_21 = tpu.memref_slice %arg8[%scan3A_9, %dma_start3A_20] : memref<80x128xi32, #tpu.memory_space<vmem>> -> memref<1x128xi32, #tpu.memory_space<vmem>>
      %dma_start3A_22 = tpu.memref_squeeze %dma_start3A_21 : memref<1x128xi32, #tpu.memory_space<vmem>> -> memref<128xi32, #tpu.memory_space<vmem>>
      %dma_start3A_23 = arith.constant 0 : i32
      %dma_start3A_24 = arith.constant 0 : i32
      %dma_start3A_25 = tpu.memref_slice %arg10[%dma_start3A_23, %dma_start3A_24] : memref<10240x128xf32, #tpu.memory_space<vmem_shared>> -> memref<10240x128xf32, #tpu.memory_space<vmem_shared>>
      tpu.enqueue_indirect_dma source(%arg9 : memref<128x128xf32, #tpu.memory_space<vmem>>) target(%dma_start3A_25 : memref<10240x128xf32, #tpu.memory_space<vmem_shared>>) offsets(%dma_start3A_22 : memref<128xi32, #tpu.memory_space<vmem>>) semaphore(%arg12 : memref<!tpu.dma_semaphore, #tpu.memory_space<semaphore_mem>>) {add = true}
      %dma_wait3A_26 = arith.constant 0 : i32
      %dma_wait3A_27 = tpu.memref_slice %arg8[%scan3A_9, %dma_wait3A_26] : memref<80x128xi32, #tpu.memory_space<vmem>> -> memref<1x128xi32, #tpu.memory_space<vmem>>
      %dma_wait3A_28 = tpu.memref_squeeze %dma_wait3A_27 : memref<1x128xi32, #tpu.memory_space<vmem>> -> memref<128xi32, #tpu.memory_space<vmem>>
      %dma_wait3A_29 = arith.constant 0 : i32
      %dma_wait3A_30 = arith.constant 0 : i32
      %dma_wait3A_31 = tpu.memref_slice %arg10[%dma_wait3A_29, %dma_wait3A_30] : memref<10240x128xf32, #tpu.memory_space<vmem_shared>> -> memref<10240x128xf32, #tpu.memory_space<vmem_shared>>
      tpu.wait_indirect_dma semaphore(%arg12 : memref<!tpu.dma_semaphore, #tpu.memory_space<semaphore_mem>>) src(%arg9 : memref<128x128xf32, #tpu.memory_space<vmem>>) dst(%dma_wait3A_31 : memref<10240x128xf32, #tpu.memory_space<vmem_shared>>)
    }
    %scan3A_7 = arith.constant 80 : i32
    %barrier3A_8 = arith.constant 0 : index
    tpu.barrier barrier_id(%barrier3A_8)
    "tpu.region"() ({
      %run_scoped3A = tpu.sem_alloc : memref<!tpu.dma_semaphore, #tpu.memory_space<semaphore_mem>>
      %dma_start3A = arith.constant 0 : i32
      %dma_start3A_9 = arith.constant 0 : i32
      %dma_start3A_10 = tpu.memref_slice %arg6[%arg0, %arg1, %dma_start3A, %dma_start3A_9] : memref<2x16x640x128xf32, #tpu.memory_space<hbm>> -> memref<1x1x640x128xf32, #tpu.memory_space<hbm>>
      %dma_start3A_11 = tpu.memref_squeeze %dma_start3A_10 : memref<1x1x640x128xf32, #tpu.memory_space<hbm>> -> memref<640x128xf32, #tpu.memory_space<hbm>>
      %dma_start3A_12 = arith.constant 0 : i32
      %dma_start3A_13 = tpu.memref_slice %arg10[%mul3A_2, %dma_start3A_12] : memref<10240x128xf32, #tpu.memory_space<vmem_shared>> -> memref<640x128xf32, #tpu.memory_space<vmem_shared>>
      tpu.enqueue_dma source(%dma_start3A_13 : memref<640x128xf32, #tpu.memory_space<vmem_shared>>) target(%dma_start3A_11 : memref<640x128xf32, #tpu.memory_space<hbm>>) target_semaphore(%run_scoped3A : memref<!tpu.dma_semaphore, #tpu.memory_space<semaphore_mem>>)
      %dma_wait3A = arith.constant 0 : i32
      %dma_wait3A_14 = arith.constant 0 : i32
      %dma_wait3A_15 = tpu.memref_slice %arg6[%arg0, %arg1, %dma_wait3A, %dma_wait3A_14] : memref<2x16x640x128xf32, #tpu.memory_space<hbm>> -> memref<1x1x640x128xf32, #tpu.memory_space<hbm>>
      %dma_wait3A_16 = tpu.memref_squeeze %dma_wait3A_15 : memref<1x1x640x128xf32, #tpu.memory_space<hbm>> -> memref<640x128xf32, #tpu.memory_space<hbm>>
      %dma_wait3A_17 = arith.constant 0 : i32
      %dma_wait3A_18 = tpu.memref_slice %arg10[%mul3A_2, %dma_wait3A_17] : memref<10240x128xf32, #tpu.memory_space<vmem_shared>> -> memref<640x128xf32, #tpu.memory_space<vmem_shared>>
      tpu.wait_dma2 semaphore(%run_scoped3A : memref<!tpu.dma_semaphore, #tpu.memory_space<semaphore_mem>>) src(%dma_wait3A_18 : memref<640x128xf32, #tpu.memory_space<vmem_shared>>) dst(%dma_wait3A_16 : memref<640x128xf32, #tpu.memory_space<hbm>>)
      tpu.yield
    }) : () -> ()
    return
  }
}

module attributes {stable_mosaic.version = 14 : i64} {
  func.func @body(%arg0: i32, %arg1: memref<256x128xf32, #tpu.memory_space<vmem>>, %arg2: memref<128x128xf32, #tpu.memory_space<vmem>>, %arg3: memref<1x1x256xf32, #tpu.memory_space<vmem>>, %arg4: memref<1x1x256xf32, #tpu.memory_space<vmem>>, %arg5: memref<256x128xf32, #tpu.memory_space<vmem>>, %arg6: memref<1x1x256xf32, #tpu.memory_space<vmem>>) attributes {dimension_semantics = [#tpu.dimension_semantics<arbitrary>], iteration_bounds = array<i64: 40>, scalar_prefetch = 0 : i64, scratch_operands = 0 : i64, tpu.core_type = #tpu.core_type<tc>, window_params = [{transform_indices = @transform_0, window_bounds = array<i64: 256, 128>}, {pipeline_mode = #tpu.pipeline_mode<synchronous>, transform_indices = @transform_1, window_bounds = array<i64: 128, 128>}, {transform_indices = @transform_2, window_bounds = array<i64: 1, 1, 256>}, {transform_indices = @transform_3, window_bounds = array<i64: 1, 1, 256>}, {transform_indices = @transform_4, window_bounds = array<i64: 256, 128>}, {transform_indices = @transform_5, window_bounds = array<i64: 1, 1, 256>}]} {
    %get3A = arith.constant 0 : index
    %get3A_0 = arith.constant 0 : index
    %get3A_1 = arith.constant 0 : index
    %get3A_2 = vector.load %arg3[%get3A, %get3A_0, %get3A_1] : memref<1x1x256xf32, #tpu.memory_space<vmem>>, vector<1x1x256xf32>
    %get3A_3 = vector.shape_cast %get3A_2 : vector<1x1x256xf32> to vector<256xf32>
    %get3A_4 = arith.constant 0 : index
    %get3A_5 = arith.constant 0 : index
    %get3A_6 = arith.constant 0 : index
    %get3A_7 = vector.load %arg4[%get3A_4, %get3A_5, %get3A_6] : memref<1x1x256xf32, #tpu.memory_space<vmem>>, vector<1x1x256xf32>
    %get3A_8 = vector.shape_cast %get3A_7 : vector<1x1x256xf32> to vector<256xf32>
    %add3A = arith.addf %get3A_3, %get3A_8 : vector<256xf32>
    %add3A_9 = arith.constant 1.000000e+00 : f32
    %add3A_10 = vector.broadcast %add3A_9 : f32 to vector<256xf32>
    %add3A_11 = arith.addf %add3A, %add3A_10 : vector<256xf32>
    %rsqrt3A = math.rsqrt %add3A_11 : vector<256xf32>
    %get3A_12 = arith.constant 0 : index
    %get3A_13 = arith.constant 0 : index
    %get3A_14 = vector.load %arg1[%get3A_12, %get3A_13] : memref<256x128xf32, #tpu.memory_space<vmem>>, vector<256x128xf32>
    %get3A_15 = arith.constant 0 : index
    %get3A_16 = arith.constant 0 : index
    %get3A_17 = vector.load %arg2[%get3A_15, %get3A_16] : memref<128x128xf32, #tpu.memory_space<vmem>>, vector<128x128xf32>
    %dot_general3A = arith.constant dense<0.000000e+00> : vector<256x128xf32>
    %dot_general3A_18 = tpu.matmul %get3A_14, %get3A_17, %dot_general3A {dimension_numbers = #tpu.dot_dimension_numbers<[1], [0], [0], [1], [0, 0, 1, 1], [], []>, transpose_lhs_hint = false} : vector<256x128xf32>, vector<128x128xf32>, vector<256x128xf32> -> vector<256x128xf32>
    %broadcast_in_dim3A = vector.shape_cast %rsqrt3A : vector<256xf32> to vector<256x1xf32>
    %mul3A = vector.broadcast %broadcast_in_dim3A : vector<256x1xf32> to vector<256x128xf32>
    %mul3A_19 = arith.mulf %dot_general3A_18, %mul3A : vector<256x128xf32>
    %swap3A = arith.constant 0 : index
    %swap3A_20 = arith.constant 0 : index
    %swap3A_21 = vector.load %arg5[%swap3A, %swap3A_20] : memref<256x128xf32, #tpu.memory_space<vmem>>, vector<256x128xf32>
    tpu.vector_store %arg5[%swap3A, %swap3A_20], %mul3A_19 {strides = array<i32>} : memref<256x128xf32, #tpu.memory_space<vmem>>, vector<256x128xf32>,
    %broadcast_in_dim3A_22 = vector.shape_cast %rsqrt3A : vector<256xf32> to vector<1x1x256xf32>
    %swap3A_23 = arith.constant 0 : index
    %swap3A_24 = arith.constant 0 : index
    %swap3A_25 = arith.constant 0 : index
    %swap3A_26 = vector.load %arg6[%swap3A_23, %swap3A_24, %swap3A_25] : memref<1x1x256xf32, #tpu.memory_space<vmem>>, vector<1x1x256xf32>
    tpu.vector_store %arg6[%swap3A_23, %swap3A_24, %swap3A_25], %broadcast_in_dim3A_22 {strides = array<i32>} : memref<1x1x256xf32, #tpu.memory_space<vmem>>, vector<1x1x256xf32>,
    return
  }
  func.func @transform_0(%arg0: i32) -> (i32, i32) {
    %c0_i32 = arith.constant 0 : i32
    %c0_i32_0 = arith.constant 0 : i32
    return %arg0, %c0_i32 : i32, i32
  }
  func.func @transform_1(%arg0: i32) -> (i32, i32) {
    %c0_i32 = arith.constant 0 : i32
    %c0_i32_0 = arith.constant 0 : i32
    %c0_i32_1 = arith.constant 0 : i32
    return %c0_i32, %c0_i32_0 : i32, i32
  }
  func.func @transform_2(%arg0: i32) -> (i32, i32, i32) {
    %c0_i32 = arith.constant 0 : i32
    %c0_i32_0 = arith.constant 0 : i32
    %c0_i32_1 = arith.constant 0 : i32
    return %arg0, %c0_i32, %c0_i32_0 : i32, i32, i32
  }
  func.func @transform_3(%arg0: i32) -> (i32, i32, i32) {
    %c0_i32 = arith.constant 0 : i32
    %c0_i32_0 = arith.constant 0 : i32
    %c0_i32_1 = arith.constant 0 : i32
    return %arg0, %c0_i32, %c0_i32_0 : i32, i32, i32
  }
  func.func @transform_4(%arg0: i32) -> (i32, i32) {
    %c0_i32 = arith.constant 0 : i32
    %c0_i32_0 = arith.constant 0 : i32
    return %arg0, %c0_i32 : i32, i32
  }
  func.func @transform_5(%arg0: i32) -> (i32, i32, i32) {
    %c0_i32 = arith.constant 0 : i32
    %c0_i32_0 = arith.constant 0 : i32
    %c0_i32_1 = arith.constant 0 : i32
    return %arg0, %c0_i32, %c0_i32_0 : i32, i32, i32
  }
}

module attributes {stable_mosaic.version = 14 : i64} {
  func.func @body(%arg0: i32, %arg1: memref<256x128xf32, #tpu.memory_space<vmem>>, %arg2: memref<256x128xf32, #tpu.memory_space<vmem>>, %arg3: memref<256x128xf32, #tpu.memory_space<vmem>>, %arg4: memref<1x1x256xf32, #tpu.memory_space<vmem>>, %arg5: memref<1x128xf32, #tpu.memory_space<vmem>>, %arg6: memref<128x128xf32, #tpu.memory_space<vmem>>, %arg7: memref<256x128xf32, #tpu.memory_space<vmem>>) attributes {dimension_semantics = [#tpu.dimension_semantics<arbitrary>], iteration_bounds = array<i64: 40>, scalar_prefetch = 0 : i64, scratch_operands = 0 : i64, tpu.core_type = #tpu.core_type<tc>, window_params = [{transform_indices = @transform_0, window_bounds = array<i64: 256, 128>}, {transform_indices = @transform_1, window_bounds = array<i64: 256, 128>}, {transform_indices = @transform_2, window_bounds = array<i64: 256, 128>}, {transform_indices = @transform_3, window_bounds = array<i64: 1, 1, 256>}, {pipeline_mode = #tpu.pipeline_mode<synchronous>, transform_indices = @transform_4, window_bounds = array<i64: 1, 128>}, {pipeline_mode = #tpu.pipeline_mode<synchronous>, transform_indices = @transform_5, window_bounds = array<i64: 128, 128>}, {transform_indices = @transform_6, window_bounds = array<i64: 256, 128>}]} {
    %get3A = arith.constant 0 : index
    %get3A_0 = arith.constant 0 : index
    %get3A_1 = arith.constant 0 : index
    %get3A_2 = vector.load %arg4[%get3A, %get3A_0, %get3A_1] : memref<1x1x256xf32, #tpu.memory_space<vmem>>, vector<1x1x256xf32>
    %get3A_3 = vector.shape_cast %get3A_2 : vector<1x1x256xf32> to vector<256xf32>
    %broadcast_in_dim3A = vector.shape_cast %get3A_3 : vector<256xf32> to vector<256x1xf32>
    %get3A_4 = arith.constant 0 : index
    %get3A_5 = arith.constant 0 : index
    %get3A_6 = vector.load %arg1[%get3A_4, %get3A_5] : memref<256x128xf32, #tpu.memory_space<vmem>>, vector<256x128xf32>
    %get3A_7 = arith.constant 0 : index
    %get3A_8 = arith.constant 0 : index
    %get3A_9 = vector.load %arg2[%get3A_7, %get3A_8] : memref<256x128xf32, #tpu.memory_space<vmem>>, vector<256x128xf32>
    %add3A = arith.addf %get3A_6, %get3A_9 : vector<256x128xf32>
    %get3A_10 = arith.constant 0 : index
    %get3A_11 = arith.constant 0 : index
    %get3A_12 = vector.load %arg3[%get3A_10, %get3A_11] : memref<256x128xf32, #tpu.memory_space<vmem>>, vector<256x128xf32>
    %add3A_13 = arith.addf %add3A, %get3A_12 : vector<256x128xf32>
    %mul3A = vector.broadcast %broadcast_in_dim3A : vector<256x1xf32> to vector<256x128xf32>
    %mul3A_14 = arith.mulf %add3A_13, %mul3A : vector<256x128xf32>
    %get3A_15 = arith.constant 0 : index
    %get3A_16 = arith.constant 0 : index
    %get3A_17 = vector.load %arg5[%get3A_15, %get3A_16] : memref<1x128xf32, #tpu.memory_space<vmem>>, vector<1x128xf32>
    %get3A_18 = vector.shape_cast %get3A_17 : vector<1x128xf32> to vector<128xf32>
    %broadcast_in_dim3A_19 = vector.shape_cast %get3A_18 : vector<128xf32> to vector<1x128xf32>
    %add3A_20 = vector.broadcast %broadcast_in_dim3A_19 : vector<1x128xf32> to vector<256x128xf32>
    %add3A_21 = arith.addf %mul3A_14, %add3A_20 : vector<256x128xf32>
    %max3A = arith.constant 0.000000e+00 : f32
    %max3A_22 = vector.broadcast %max3A : f32 to vector<256x128xf32>
    %max3A_23 = arith.maximumf %add3A_21, %max3A_22 : vector<256x128xf32>
    %get3A_24 = arith.constant 0 : index
    %get3A_25 = arith.constant 0 : index
    %get3A_26 = vector.load %arg6[%get3A_24, %get3A_25] : memref<128x128xf32, #tpu.memory_space<vmem>>, vector<128x128xf32>
    %dot_general3A = arith.constant dense<0.000000e+00> : vector<256x128xf32>
    %dot_general3A_27 = tpu.matmul %max3A_23, %get3A_26, %dot_general3A {dimension_numbers = #tpu.dot_dimension_numbers<[1], [0], [0], [1], [0, 0, 1, 1], [], []>, transpose_lhs_hint = false} : vector<256x128xf32>, vector<128x128xf32>, vector<256x128xf32> -> vector<256x128xf32>
    %mul3A_28 = vector.broadcast %broadcast_in_dim3A : vector<256x1xf32> to vector<256x128xf32>
    %mul3A_29 = arith.mulf %dot_general3A_27, %mul3A_28 : vector<256x128xf32>
    %swap3A = arith.constant 0 : index
    %swap3A_30 = arith.constant 0 : index
    %swap3A_31 = vector.load %arg7[%swap3A, %swap3A_30] : memref<256x128xf32, #tpu.memory_space<vmem>>, vector<256x128xf32>
    tpu.vector_store %arg7[%swap3A, %swap3A_30], %mul3A_29 {strides = array<i32>} : memref<256x128xf32, #tpu.memory_space<vmem>>, vector<256x128xf32>,
    return
  }
  func.func @transform_0(%arg0: i32) -> (i32, i32) {
    %c0_i32 = arith.constant 0 : i32
    %c0_i32_0 = arith.constant 0 : i32
    return %arg0, %c0_i32 : i32, i32
  }
  func.func @transform_1(%arg0: i32) -> (i32, i32) {
    %c0_i32 = arith.constant 0 : i32
    %c0_i32_0 = arith.constant 0 : i32
    return %arg0, %c0_i32 : i32, i32
  }
  func.func @transform_2(%arg0: i32) -> (i32, i32) {
    %c0_i32 = arith.constant 0 : i32
    %c0_i32_0 = arith.constant 0 : i32
    return %arg0, %c0_i32 : i32, i32
  }
  func.func @transform_3(%arg0: i32) -> (i32, i32, i32) {
    %c0_i32 = arith.constant 0 : i32
    %c0_i32_0 = arith.constant 0 : i32
    %c0_i32_1 = arith.constant 0 : i32
    return %arg0, %c0_i32, %c0_i32_0 : i32, i32, i32
  }
  func.func @transform_4(%arg0: i32) -> (i32, i32) {
    %c0_i32 = arith.constant 0 : i32
    %c0_i32_0 = arith.constant 0 : i32
    %c0_i32_1 = arith.constant 0 : i32
    return %c0_i32, %c0_i32_0 : i32, i32
  }
  func.func @transform_5(%arg0: i32) -> (i32, i32) {
    %c0_i32 = arith.constant 0 : i32
    %c0_i32_0 = arith.constant 0 : i32
    %c0_i32_1 = arith.constant 0 : i32
    return %c0_i32, %c0_i32_0 : i32, i32
  }
  func.func @transform_6(%arg0: i32) -> (i32, i32) {
    %c0_i32 = arith.constant 0 : i32
    %c0_i32_0 = arith.constant 0 : i32
    return %arg0, %c0_i32 : i32, i32
  }
}

module attributes {stable_mosaic.version = 14 : i64} {
  func.func @body(%arg0: i32, %arg1: memref<256x128xf32, #tpu.memory_space<vmem>>, %arg2: memref<256x128xf32, #tpu.memory_space<vmem>>, %arg3: memref<256x128xf32, #tpu.memory_space<vmem>>, %arg4: memref<1x1x256xf32, #tpu.memory_space<vmem>>, %arg5: memref<1x128xf32, #tpu.memory_space<vmem>>, %arg6: memref<1x1x256xi32, #tpu.memory_space<vmem>>, %arg7: memref<128x128xf32, #tpu.memory_space<vmem>>, %arg8: memref<1x128xf32, #tpu.memory_space<vmem>>, %arg9: memref<64x128xf32, #tpu.memory_space<vmem>>, %arg10: memref<64x128xf32, #tpu.memory_space<vmem>>, %arg11: memref<64x128xf32, #tpu.memory_space<vmem>>) attributes {dimension_semantics = [#tpu.dimension_semantics<arbitrary>], iteration_bounds = array<i64: 40>, scalar_prefetch = 0 : i64, scratch_operands = 2 : i64, tpu.core_type = #tpu.core_type<tc>, window_params = [{transform_indices = @transform_0, window_bounds = array<i64: 256, 128>}, {transform_indices = @transform_1, window_bounds = array<i64: 256, 128>}, {transform_indices = @transform_2, window_bounds = array<i64: 256, 128>}, {transform_indices = @transform_3, window_bounds = array<i64: 1, 1, 256>}, {pipeline_mode = #tpu.pipeline_mode<synchronous>, transform_indices = @transform_4, window_bounds = array<i64: 1, 128>}, {transform_indices = @transform_5, window_bounds = array<i64: 1, 1, 256>}, {pipeline_mode = #tpu.pipeline_mode<synchronous>, transform_indices = @transform_6, window_bounds = array<i64: 128, 128>}, {pipeline_mode = #tpu.pipeline_mode<synchronous>, transform_indices = @transform_7, window_bounds = array<i64: 1, 128>}, {pipeline_mode = #tpu.pipeline_mode<synchronous>, transform_indices = @transform_8, window_bounds = array<i64: 64, 128>}]} {
    %get3A = arith.constant 0 : index
    %get3A_0 = arith.constant 0 : index
    %get3A_1 = arith.constant 0 : index
    %get3A_2 = vector.load %arg4[%get3A, %get3A_0, %get3A_1] : memref<1x1x256xf32, #tpu.memory_space<vmem>>, vector<1x1x256xf32>
    %get3A_3 = vector.shape_cast %get3A_2 : vector<1x1x256xf32> to vector<256xf32>
    %broadcast_in_dim3A = vector.shape_cast %get3A_3 : vector<256xf32> to vector<256x1xf32>
    %get3A_4 = arith.constant 0 : index
    %get3A_5 = arith.constant 0 : index
    %get3A_6 = vector.load %arg1[%get3A_4, %get3A_5] : memref<256x128xf32, #tpu.memory_space<vmem>>, vector<256x128xf32>
    %get3A_7 = arith.constant 0 : index
    %get3A_8 = arith.constant 0 : index
    %get3A_9 = vector.load %arg2[%get3A_7, %get3A_8] : memref<256x128xf32, #tpu.memory_space<vmem>>, vector<256x128xf32>
    %add3A = arith.addf %get3A_6, %get3A_9 : vector<256x128xf32>
    %get3A_10 = arith.constant 0 : index
    %get3A_11 = arith.constant 0 : index
    %get3A_12 = vector.load %arg3[%get3A_10, %get3A_11] : memref<256x128xf32, #tpu.memory_space<vmem>>, vector<256x128xf32>
    %add3A_13 = arith.addf %add3A, %get3A_12 : vector<256x128xf32>
    %mul3A = vector.broadcast %broadcast_in_dim3A : vector<256x1xf32> to vector<256x128xf32>
    %mul3A_14 = arith.mulf %add3A_13, %mul3A : vector<256x128xf32>
    %get3A_15 = arith.constant 0 : index
    %get3A_16 = arith.constant 0 : index
    %get3A_17 = vector.load %arg5[%get3A_15, %get3A_16] : memref<1x128xf32, #tpu.memory_space<vmem>>, vector<1x128xf32>
    %get3A_18 = vector.shape_cast %get3A_17 : vector<1x128xf32> to vector<128xf32>
    %broadcast_in_dim3A_19 = vector.shape_cast %get3A_18 : vector<128xf32> to vector<1x128xf32>
    %add3A_20 = vector.broadcast %broadcast_in_dim3A_19 : vector<1x128xf32> to vector<256x128xf32>
    %add3A_21 = arith.addf %mul3A_14, %add3A_20 : vector<256x128xf32>
    %max3A = arith.constant 0.000000e+00 : f32
    %max3A_22 = vector.broadcast %max3A : f32 to vector<256x128xf32>
    %max3A_23 = arith.maximumf %add3A_21, %max3A_22 : vector<256x128xf32>
    %iota3A = tpu.iota {dimensions = array<i32: 0>} : vector<64x256xi32>
    %get3A_24 = arith.constant 0 : index
    %get3A_25 = arith.constant 0 : index
    %get3A_26 = arith.constant 0 : index
    %get3A_27 = vector.load %arg6[%get3A_24, %get3A_25, %get3A_26] : memref<1x1x256xi32, #tpu.memory_space<vmem>>, vector<1x1x256xi32>
    %get3A_28 = vector.shape_cast %get3A_27 : vector<1x1x256xi32> to vector<256xi32>
    %broadcast_in_dim3A_29 = vector.shape_cast %get3A_28 : vector<256xi32> to vector<1x256xi32>
    %eq3A = vector.broadcast %broadcast_in_dim3A_29 : vector<1x256xi32> to vector<64x256xi32>
    %eq3A_30 = arith.cmpi eq, %eq3A, %iota3A : vector<64x256xi32>
    %convert_element_type3A = arith.extui %eq3A_30 : vector<64x256xi1> to vector<64x256xi32>
    %convert_element_type3A_31 = arith.sitofp %convert_element_type3A : vector<64x256xi32> to vector<64x256xf32>
    %eq3A_32 = arith.constant 0 : i32
    %eq3A_33 = arith.cmpi eq, %arg0, %eq3A_32 : i32
    %convert_element_type3A_34 = arith.extui %eq3A_33 : i1 to i32
    %cond3A = arith.constant 0 : i32
    %cond3A_35 = arith.cmpi ne, %convert_element_type3A_34, %cond3A : i32
    scf.if %cond3A_35 {
      %broadcast_in_dim3A_59 = arith.constant 0.000000e+00 : f32
      %broadcast_in_dim3A_60 = vector.broadcast %broadcast_in_dim3A_59 : f32 to vector<64x128xf32>
      %swap3A_61 = arith.constant 0 : index
      %swap3A_62 = arith.constant 0 : index
      %swap3A_63 = vector.load %arg10[%swap3A_61, %swap3A_62] : memref<64x128xf32, #tpu.memory_space<vmem>>, vector<64x128xf32>
      tpu.vector_store %arg10[%swap3A_61, %swap3A_62], %broadcast_in_dim3A_60 {strides = array<i32>} : memref<64x128xf32, #tpu.memory_space<vmem>>, vector<64x128xf32>,
      %broadcast_in_dim3A_64 = arith.constant 0.000000e+00 : f32
      %broadcast_in_dim3A_65 = vector.broadcast %broadcast_in_dim3A_64 : f32 to vector<64x128xf32>
      %swap3A_66 = arith.constant 0 : index
      %swap3A_67 = arith.constant 0 : index
      %swap3A_68 = vector.load %arg11[%swap3A_66, %swap3A_67] : memref<64x128xf32, #tpu.memory_space<vmem>>, vector<64x128xf32>
      tpu.vector_store %arg11[%swap3A_66, %swap3A_67], %broadcast_in_dim3A_65 {strides = array<i32>} : memref<64x128xf32, #tpu.memory_space<vmem>>, vector<64x128xf32>,
    } else {
    }
    %get3A_36 = arith.constant 0 : index
    %get3A_37 = arith.constant 0 : index
    %get3A_38 = vector.load %arg10[%get3A_36, %get3A_37] : memref<64x128xf32, #tpu.memory_space<vmem>>, vector<64x128xf32>
    %dot_general3A = arith.constant dense<0.000000e+00> : vector<64x128xf32>
    %dot_general3A_39 = tpu.matmul %convert_element_type3A_31, %max3A_23, %dot_general3A {dimension_numbers = #tpu.dot_dimension_numbers<[1], [0], [0], [1], [0, 0, 1, 1], [], []>, transpose_lhs_hint = false} : vector<64x256xf32>, vector<256x128xf32>, vector<64x128xf32> -> vector<64x128xf32>
    %add3A_40 = arith.addf %get3A_38, %dot_general3A_39 : vector<64x128xf32>
    %swap3A = arith.constant 0 : index
    %swap3A_41 = arith.constant 0 : index
    %swap3A_42 = vector.load %arg10[%swap3A, %swap3A_41] : memref<64x128xf32, #tpu.memory_space<vmem>>, vector<64x128xf32>
    tpu.vector_store %arg10[%swap3A, %swap3A_41], %add3A_40 {strides = array<i32>} : memref<64x128xf32, #tpu.memory_space<vmem>>, vector<64x128xf32>,
    %get3A_43 = arith.constant 0 : index
    %get3A_44 = arith.constant 0 : index
    %get3A_45 = vector.load %arg11[%get3A_43, %get3A_44] : memref<64x128xf32, #tpu.memory_space<vmem>>, vector<64x128xf32>
    %reduce_sum3A = arith.constant dense<0.000000e+00> : vector<64xf32>
    %reduce_sum3A_46 = vector.multi_reduction <add>, %convert_element_type3A_31, %reduce_sum3A [1] : vector<64x256xf32> to vector<64xf32>
    %broadcast_in_dim3A_47 = vector.shape_cast %reduce_sum3A_46 : vector<64xf32> to vector<64x1xf32>
    %broadcast_in_dim3A_48 = vector.shape_cast %broadcast_in_dim3A_47 : vector<64x1xf32> to vector<64x1xf32>
    %broadcast_in_dim3A_49 = vector.broadcast %broadcast_in_dim3A_48 : vector<64x1xf32> to vector<64x128xf32>
    %add3A_50 = arith.addf %get3A_45, %broadcast_in_dim3A_49 : vector<64x128xf32>
    %swap3A_51 = arith.constant 0 : index
    %swap3A_52 = arith.constant 0 : index
    %swap3A_53 = vector.load %arg11[%swap3A_51, %swap3A_52] : memref<64x128xf32, #tpu.memory_space<vmem>>, vector<64x128xf32>
    tpu.vector_store %arg11[%swap3A_51, %swap3A_52], %add3A_50 {strides = array<i32>} : memref<64x128xf32, #tpu.memory_space<vmem>>, vector<64x128xf32>,
    %eq3A_54 = arith.constant 39 : i32
    %eq3A_55 = arith.cmpi eq, %arg0, %eq3A_54 : i32
    %convert_element_type3A_56 = arith.extui %eq3A_55 : i1 to i32
    %cond3A_57 = arith.constant 0 : i32
    %cond3A_58 = arith.cmpi ne, %convert_element_type3A_56, %cond3A_57 : i32
    scf.if %cond3A_58 {
      %get3A_59 = arith.constant 0 : index
      %get3A_60 = arith.constant 0 : index
      %get3A_61 = vector.load %arg10[%get3A_59, %get3A_60] : memref<64x128xf32, #tpu.memory_space<vmem>>, vector<64x128xf32>
      %get3A_62 = arith.constant 0 : index
      %get3A_63 = arith.constant 0 : index
      %get3A_64 = vector.load %arg11[%get3A_62, %get3A_63] : memref<64x128xf32, #tpu.memory_space<vmem>>, vector<64x128xf32>
      %max3A_65 = arith.constant 1.000000e+00 : f32
      %max3A_66 = vector.broadcast %max3A_65 : f32 to vector<64x128xf32>
      %max3A_67 = arith.maximumf %get3A_64, %max3A_66 : vector<64x128xf32>
      %div3A = arith.divf %get3A_61, %max3A_67 : vector<64x128xf32>
      %get3A_68 = arith.constant 0 : index
      %get3A_69 = arith.constant 0 : index
      %get3A_70 = vector.load %arg7[%get3A_68, %get3A_69] : memref<128x128xf32, #tpu.memory_space<vmem>>, vector<128x128xf32>
      %dot_general3A_71 = arith.constant dense<0.000000e+00> : vector<64x128xf32>
      %dot_general3A_72 = tpu.matmul %div3A, %get3A_70, %dot_general3A_71 {dimension_numbers = #tpu.dot_dimension_numbers<[1], [0], [0], [1], [0, 0, 1, 1], [], []>, transpose_lhs_hint = false} : vector<64x128xf32>, vector<128x128xf32>, vector<64x128xf32> -> vector<64x128xf32>
      %get3A_73 = arith.constant 0 : index
      %get3A_74 = arith.constant 0 : index
      %get3A_75 = vector.load %arg8[%get3A_73, %get3A_74] : memref<1x128xf32, #tpu.memory_space<vmem>>, vector<1x128xf32>
      %get3A_76 = vector.shape_cast %get3A_75 : vector<1x128xf32> to vector<128xf32>
      %broadcast_in_dim3A_77 = vector.shape_cast %get3A_76 : vector<128xf32> to vector<1x128xf32>
      %add3A_78 = vector.broadcast %broadcast_in_dim3A_77 : vector<1x128xf32> to vector<64x128xf32>
      %add3A_79 = arith.addf %dot_general3A_72, %add3A_78 : vector<64x128xf32>
      %swap3A_80 = arith.constant 0 : index
      %swap3A_81 = arith.constant 0 : index
      %swap3A_82 = vector.load %arg9[%swap3A_80, %swap3A_81] : memref<64x128xf32, #tpu.memory_space<vmem>>, vector<64x128xf32>
      tpu.vector_store %arg9[%swap3A_80, %swap3A_81], %add3A_79 {strides = array<i32>} : memref<64x128xf32, #tpu.memory_space<vmem>>, vector<64x128xf32>,
    } else {
    }
    return
  }
  func.func @transform_0(%arg0: i32) -> (i32, i32) {
    %c0_i32 = arith.constant 0 : i32
    %c0_i32_0 = arith.constant 0 : i32
    return %arg0, %c0_i32 : i32, i32
  }
  func.func @transform_1(%arg0: i32) -> (i32, i32) {
    %c0_i32 = arith.constant 0 : i32
    %c0_i32_0 = arith.constant 0 : i32
    return %arg0, %c0_i32 : i32, i32
  }
  func.func @transform_2(%arg0: i32) -> (i32, i32) {
    %c0_i32 = arith.constant 0 : i32
    %c0_i32_0 = arith.constant 0 : i32
    return %arg0, %c0_i32 : i32, i32
  }
  func.func @transform_3(%arg0: i32) -> (i32, i32, i32) {
    %c0_i32 = arith.constant 0 : i32
    %c0_i32_0 = arith.constant 0 : i32
    %c0_i32_1 = arith.constant 0 : i32
    return %arg0, %c0_i32, %c0_i32_0 : i32, i32, i32
  }
  func.func @transform_4(%arg0: i32) -> (i32, i32) {
    %c0_i32 = arith.constant 0 : i32
    %c0_i32_0 = arith.constant 0 : i32
    %c0_i32_1 = arith.constant 0 : i32
    return %c0_i32, %c0_i32_0 : i32, i32
  }
  func.func @transform_5(%arg0: i32) -> (i32, i32, i32) {
    %c0_i32 = arith.constant 0 : i32
    %c0_i32_0 = arith.constant 0 : i32
    %c0_i32_1 = arith.constant 0 : i32
    return %arg0, %c0_i32, %c0_i32_0 : i32, i32, i32
  }
  func.func @transform_6(%arg0: i32) -> (i32, i32) {
    %c0_i32 = arith.constant 0 : i32
    %c0_i32_0 = arith.constant 0 : i32
    %c0_i32_1 = arith.constant 0 : i32
    return %c0_i32, %c0_i32_0 : i32, i32
  }
  func.func @transform_7(%arg0: i32) -> (i32, i32) {
    %c0_i32 = arith.constant 0 : i32
    %c0_i32_0 = arith.constant 0 : i32
    %c0_i32_1 = arith.constant 0 : i32
    return %c0_i32, %c0_i32_0 : i32, i32
  }
  func.func @transform_8(%arg0: i32) -> (i32, i32) {
    %c0_i32 = arith.constant 0 : i32
    %c0_i32_0 = arith.constant 0 : i32
    %c0_i32_1 = arith.constant 0 : i32
    return %c0_i32, %c0_i32_0 : i32, i32
  }
}

</mosaic_0001>

<sc_bundles>
// kernel: kernel.11.cloned.1.call-start
scs
__scs_entry_jumppad:
0x0: {  	(pc) =	sbr.rel $0x88, $3  }
0x1: {  	(tag) =	ssettag $0x0;
	lr =	simm.s32 $0x1  }
0x2: {  	[smem:$0x3F98] =	sst lr;
	_ =	strace $0xD0000000  }
0x3: {  	_ = 	snop  }
0x4: {  	_ = 	snop  }
0x5: {  	_ = 	snop  }
0x6: {  	_ = 	snop  }
0x7: {  	_ = 	snop  }
__scs_overlays_trampoline_lowered:
0x8: {  	[smem:$0x3FA7] =	sst s0  }
0x9: {  	[smem:$0x3FA8] =	sst s1  }
0xa: {  	[smem:$0x3FA9] =	sst s2  }
0xb: {  	[smem:$0x3FAA] =	sst s3  }
0xc: {  	[smem:$0x3FAB] =	sst s4  }
0xd: {  	[smem:$0x3FAC] =	sst s5  }
0xe: {  	[smem:$0x3FAD] =	sst s6  }
0xf: {  	[smem:$0x3FAE] =	sst s7  }
0x10: {  	[smem:$0x3FAF] =	sst s8  }
0x11: {  	[smem:$0x3FB0] =	sst s9;
	s0 =	simm.s32 @!p0 $0x0  }
0x12: {  	s1 =	sld [smem:$0x3F96];
	s0 =	simm.s32 @p0 $0x1  }
0x13: {  	[smem:$0x3FB1] =	sst s0;
	s0 =	simm.s32 @!p1 $0x0  }
0x14: {  	s2 =	sld [smem:$0x3F95];
	s0 =	simm.s32 @p1 $0x1  }
0x15: {  	[smem:$0x3FB2] =	sst s0;
	s0 =	simm.s32 @!p2 $0x0  }
0x16: {  	s3 =	sld [smem:$0x3FDB];
	s0 =	simm.s32 @p2 $0x1  }
0x17: {  	s4 =	simm.s32 $0x1BF5;
	[smem:$0x3FB4] =	sst s0  }
0x18: {  	s0 =	sld [smem:$0x3F97];
	_ =	swait.ge [sflag:s4], $0x0  }
0x19: {  	s7 =	sld [smem:$0x3F98]  }
0x1a: {  	s8 =	sadd.s32 $0xFFFFE003, lr  }
0x1b: {  	s9 =	sadd.s32 $0xFFFFFEF7, lr;
	s5 =	simm.s32 $0xFFFFFFFF;
	p2 =	slt.u32 s8, $0xFFFFF086  }
0x1c: {  	p1 =	slt.u32 s9, $0xF7A;
	s5 =	simm.s32 @!p2 $0x0  }
0x1d: {  	s5 =	simm.s32 @p1 $0x1;
	p0 =	seq.s32 s7, s2  }
0x1e: {  	s7 =	smul.u32 @!p0 $0xF7A, s2;
	p2 =	seq.s32 @!p0 s5, $0x0  }
0x1f: {  	s9 =	smul.u32 $0xF7A, s1;
	s8 =	simm.s32 @!p0 $0x1BF5;
	p2 =	por !p2, p0  }
0x20: {  	[sflag:s8] =	ssyncset.s32 @!p0 $0xFFFFF086;
	s6 =	sadd.s32 @!p0 s3, s7;
	s7 =	simm.s32 @!p0 $0x108  }
0x21: {  	s3 =	sadd.s32 s3, s9;
	s6 =	sadd.s32 @!p0 $0x88, s6;
	s7 =	simm.s32 @p2 $0x1082  }
0x22: {  	[simem:s7], [sflag:s8] =	dma.local @!p0 [hbm:s6], $0xF7A  }
0x23: {  	s9 =	sor.u32 $0xD0000000, s2;
	s6 =	simm.s32 $0x108;
	_ =	swait.ge @!p0 [sflag:s8], $0x0  }
0x24: {  	s3 =	sadd.s32 $0x88, s3;
	s6 =	simm.s32 @!p1 $0x1082;
	[sflag:s4] =	ssyncset.s32 $0xFFFFF086  }
0x25: {  	[simem:s6], [sflag:s4] =	dma.local [hbm:s3], $0xF7A  }
0x26: {  	[smem:$0x3F98] =	sst s1;
	(tag) =	ssettag s2;
	_ =	strace s9  }
0x27: {  	s1 =	sld [smem:$0x3FA8]  }
0x28: {  	s2 =	sld [smem:$0x3FA9]  }
0x29: {  	s4 =	sld [smem:$0x3FAB]  }
0x2a: {  	p0 =	seq.s32 s5, $0x0;
	s5 =	sld [smem:$0x3FAC]  }
0x2b: {  	s6 =	sld [smem:$0x3FAD]  }
0x2c: {  	s7 =	sld [smem:$0x3FAE]  }
0x2d: {  	s3 =	simm.s32 $0x108;
	s8 =	sld [smem:$0x3FAF]  }
0x2e: {  	s3 =	simm.s32 @!p0 $0x1082;
	s9 =	sld [smem:$0x3FB0]  }
0x2f: {  	lr =	sadd.s32 s0, s3;
	s0 =	sld [smem:$0x3FA7]  }
0x30: {  	s3 =	sld [smem:$0x3FAA]  }
0x31: {  	[smem:$0x3FB3] =	sst s10  }
0x32: {  	s10 =	sld [smem:$0x3FB1];
	_ =	sdelay $0x3  }
0x33: {  	p0 =	seq.s32 s10, $0x1;
	s10 =	sld [smem:$0x3FB3];
	_ =	sdelay $0x3  }
0x34: {  	[smem:$0x3FB3] =	sst s10  }
0x35: {  	s10 =	sld [smem:$0x3FB2];
	_ =	sdelay $0x3  }
0x36: {  	p1 =	seq.s32 s10, $0x1;
	s10 =	sld [smem:$0x3FB3];
	_ =	sdelay $0x3  }
0x37: {  	[smem:$0x3FB3] =	sst s10  }
0x38: {  	s10 =	sld [smem:$0x3FB4]  }
0x39: {  	_ = 	snop;
	(pc) =	sbr.ind lr, $3  }
0x3a: {  	_ = 	snop  }
0x3b: {  	_ = 	snop  }
0x3c: {  	p2 =	seq.s32 s10, $0x1;
	s10 =	sld [smem:$0x3FB3]  }
0x3d: {  	_ =	shalt  }
0x3e: {  	_ =	shalt  }
0x3f: {  	_ =	shalt  }
0x40: {  	_ =	shalt  }
0x41: {  	_ =	shalt  }
0x42: {  	_ =	shalt  }
0x43: {  	_ =	shalt  }
0x44: {  	_ =	shalt  }
0x45: {  	_ =	shalt  }
0x46: {  	_ =	shalt  }
0x47: {  	_ =	shalt  }
0x48: {  	_ =	shalt  }
0x49: {  	_ =	shalt  }
0x4a: {  	_ =	shalt  }
0x4b: {  	_ =	shalt  }
0x4c: {  	_ =	shalt  }
0x4d: {  	_ =	shalt  }
0x4e: {  	_ =	shalt  }
0x4f: {  	_ =	shalt  }
0x50: {  	_ =	shalt  }
0x51: {  	_ =	shalt  }
0x52: {  	_ =	shalt  }
0x53: {  	_ =	shalt  }
0x54: {  	_ =	shalt  }
0x55: {  	_ =	shalt  }
0x56: {  	_ =	shalt  }
0x57: {  	_ =	shalt  }
0x58: {  	_ =	shalt  }
0x59: {  	_ =	shalt  }
0x5a: {  	_ =	shalt  }
0x5b: {  	_ =	shalt  }
0x5c: {  	_ =	shalt  }
0x5d: {  	_ =	shalt  }
0x5e: {  	_ =	shalt  }
0x5f: {  	_ =	shalt  }
0x60: {  	_ =	shalt  }
0x61: {  	_ =	shalt  }
0x62: {  	_ =	shalt  }
0x63: {  	_ =	shalt  }
0x64: {  	_ =	shalt  }
0x65: {  	_ =	shalt  }
0x66: {  	_ =	shalt  }
0x67: {  	_ =	shalt  }
0x68: {  	_ =	shalt  }
0x69: {  	_ =	shalt  }
0x6a: {  	_ =	shalt  }
0x6b: {  	_ =	shalt  }
0x6c: {  	_ =	shalt  }
0x6d: {  	_ =	shalt  }
0x6e: {  	_ =	shalt  }
0x6f: {  	_ =	shalt  }
0x70: {  	_ =	shalt  }
0x71: {  	_ =	shalt  }
0x72: {  	_ =	shalt  }
0x73: {  	_ =	shalt  }
0x74: {  	_ =	shalt  }
0x75: {  	_ =	shalt  }
0x76: {  	_ =	shalt  }
0x77: {  	_ =	shalt  }
0x78: {  	_ =	shalt  }
0x79: {  	_ =	shalt  }
0x7a: {  	_ =	shalt  }
0x7b: {  	_ =	shalt  }
0x7c: {  	_ =	shalt  }
0x7d: {  	_ =	shalt  }
0x7e: {  	_ =	shalt  }
0x7f: {  	_ =	shalt  }
0x80: {  	_ =	shalt  }
0x81: {  	_ =	shalt  }
0x82: {  	_ =	shalt  }
0x83: {  	_ =	shalt  }
0x84: {  	_ =	shalt  }
0x85: {  	_ =	shalt  }
0x86: {  	_ =	shalt  }
0x87: {  	_ =	shalt  }
.Lfunc_end0:
.L_simem_size_0:
called_computation.1_lowered:
.L_overlay_start_0:
0x88: {  	s2 =	sld [smem:$0x3FD9]  }
0x89: {  	s3 =	sld [smem:$0x3FFE];
	_ =	sdelay $0x1  }
0x8a: {  	s1 =	srdreg.scid  }
0x8b: {  	s0 =	sand.u32 $0x1, s1  }
0x8c: {  	s16 =	sshll.u32 s0, $0xA;
	s2 =	sadd.s32 s3, s2  }
0x8d: {  	s2 =	sadd.s32 s2, s16  }
0x8e: {  	[smem:$0x3FBF] =	sst s2  }
0x8f: {  	_ = 	snop  }
0x90: {  	(tm) =	ssettm $0x1  }
0x91: {  	s17 =	sld [smem:$0x3FFB];
	_ =	sdelay $0x3  }
0x92: {  	_ =	strace s17  }
0x93: {  	s2 =	sld [smem:$0x3FFC];
	_ =	sdelay $0x3  }
0x94: {  	_ =	strace s2  }
0x95: {  	s2 =	sld [smem:$0x3FFD];
	_ =	sdelay $0x3  }
0x96: {  	_ =	strace s2  }
0x97: {  	_ =	strace $0x8FFFFFFF  }
0x98: {  	s18 =	sld [smem:$0x3FDB];
	_ =	sdelay $0x1  }
0x99: {  	s19 =	simm.s32 $_scs_section_size  }
0x9a: {  	s4 =	simm.s32 $_size__tile_overlayer_lowered;
	s5 =	simm.s32 $_tile_overlayer_lowered  }
0x9b: {  	s22 =	simm.s32 $0x1BFF;
	s21 =	sshll.u32 s5, $0x1;
	s2 =	sadd.s32 s19, s18  }
0x9c: {  	s6 =	simm.s32 $0x0;
	s20 =	sshll.u32 s4, $0x1;
	s4 =	sadd.s32 s21, s2  }
0x9d: {  	[timem:s6], [sflag:s22] =	dma.local [hbm:s4], s20  }
0x9e: {  	_ =	swait.ge [sflag:s22], s20  }
0x9f: {  	s3 =	ssub.s32 $0x0, s20;
	[sflag:s22] =	ssyncset.done $0x0  }
0xa0: {  	[sflag:s22] =	ssyncadd.s32 s3;
	_ =	sdelay $0x1  }
0xa1: {  	s23 =	simm.s32 $0x1B8B  }
0xa2: {  	_ =	swait.ge [sflag:s23], $0x1  }
0xa3: {  	[sflag:s23] =	ssyncset.done $0x0  }
0xa4: {  	s25 =	simm.s32 $0x1B8E;
	s24 =	sld [smem:$0x3FFE];
	[sflag:s23] =	ssyncadd.s32 $0xFFFFFFFF  }
0xa5: {  	s26 =	simm.s32 $execute0_lowered;
	[smem:$0x3FD2] =	sst s25  }
0xa6: {  	s4 =	sshll.u32 s26, $0x1;
	_ =	strace $0x80000049;
	[dreg:$0x1] =	wrdreg $0xFFFFFFFF  }
0xa7: {  	s28 =	simm.s32 $_size_execute0_lowered;
	s2 =	sadd.s32 s2, s4;
	[dreg:$0x0] =	wrdreg $0x0  }
0xa8: {  	s4 =	sshll.u32 s28, $0x1;
	[dreg:$0x2] =	wrdreg s2  }
0xa9: {  	[dreg:$0x3] =	wrdreg s4  }
0xaa: {  	[dreg:$0x4] =	wrdreg $0xC0  }
0xab: {  	_ =	task [dreg:s6], $0x5FFFF  }
0xac: {  	[dreg:$0x1] =	wrdreg $0xFFFFFFFF  }
0xad: {  	[dreg:$0x0] =	wrdreg $0x60  }
0xae: {  	[dreg:$0x2] =	wrdreg s24  }
0xaf: {  	[dreg:$0x3] =	wrdreg $0x90000  }
0xb0: {  	[dreg:$0x4] =	wrdreg $0x9  }
0xb1: {  	_ =	task.clear_ibuf [dreg:s6], $0x5FFFF;
	_ =	strace $0x90000049  }
0xb2: {  	s29 =	simm.s32 $0x9;
	_ =	strace $0x8000004B  }
0xb3: {  	_ =	swait.ge [sflag:s29], $0x1  }
0xb4: {  	[sflag:s29] =	ssyncadd.s32 $0xFFFFFFFF  }
0xb5: {  	_ =	strace $0x9000004B  }
0xb6: {  	_ =	sfence  }
0xb7: {  	s30 =	sld [smem:$0x0];
	_ =	sdelay $0x2  }
0xb8: {  	s31 =	sshll.u32 s1, $0xD;
	s1 =	sshrl.u32 s1, $0x2  }
0xb9: {  	s3 =	sand.u32 $0x4000, s31;
	s1 =	sadd.s32 s1, s30  }
0xba: {  	s0 =	sor.u32 s3, s0;
	s1 =	sshll.u32 s1, $0x11  }
0xbb: {  	s0 =	sor.u32 s1, s0  }
0xbc: {  	s0 =	sadd.s32 $0x8F2B, s0  }
0xbd: {  	[sflag:s0] =	ssyncadd.remote.s32 $0x1  }
0xbe: {  	_ =	sfence.sel $0xFFFF  }
0xbf: {  	[dreg:$0x0] =	wrdreg $0xFFFFFFFF;
	(pc) =	sbr.abs _section_cstart, $3  }
0xc0: {  	[dreg:$0x1] =	wrdreg $0xFFFFFFFF  }
0xc1: {  	_ =	task.clear_ibuf [dreg:s6], $0x2FFFF;
	_ =	strace $0x9FFFFFFF  }
0xc2: {  	(tm) =	ssettm $0x7FFFFFFF  }
0xc3: {  	_ =	shalt  }
tec
execute0_lowered:
.L_overlay_start_1:
0x0: {  	(tag) =	ssettag $0x1  }
0x1: {  	s6 =	rddreg [dreg:$0x0]  }
0x2: {  	s0 =	srdreg.scid;
	s2 =	rddreg [dreg:$0x1]  }
0x3: {  	s3 =	simm.s32 $0x0;
	s14 =	simm.s32 $0x80;
	s5 =	sand.u32 $0x1, s0  }
0x4: {  	s15 =	simm.s32 $0x5000;
	s0 =	stileid.u32;
	s7 =	smul.u32 $0x140000, s5  }
0x5: {  	s16 =	simm.s32 $0x1;
	s17 =	simm.s32 $0x2;
	s8 =	smul.u32 $0x14000, s0  }
0x6: {  	s18 =	simm.s32 $0x0;
	[smem:$0x7FF] =	sst s3;
	s10 =	smul.u32 $0x2800, s0  }
0x7: {  	s1 =	sshll.u32 s5, $0x4;
	s5 =	ssub.s32 $0x2, s5;
	s28 =	smul.u32 $0x50000, s0  }
0x8: {  	s31 =	sshll.u32 s0, $0x6;
	s1 =	sor.u32 s0, s1;
	s29 =	sshrl.u32 s5, $0x1  }
0x9: {  	s4 =	smul.u32 $0x500, s1;
	s1 =	rddreg [dreg:$0x2];
	_ =	strace $0x8000004A  }
0xa: {  	s7 =	sadd.s32 s8, s7;
	s10 =	sadd.s32 s10, s6;
	s30 =	sshrl.u32 s28, $0x2  }
0xb: {  	s12 =	ssub.s32 s5, s29;
	s7 =	sshrl.u32 s7, $0x3;
	s13 =	sadd.s32 s30, s2  }
0xc: {  	s5 =	sadd.s32 $0x3FA00, s10;
	s10 =	smax.u32 s12, $0x1;
	s12 =	simm.s32 $0x3  }
0xd: {  	s9 =	sadd.s32 s4, s6;
	s4 =	sadd.s32 $0x17A00, s6;
	s11 =	sadd.s32 s7, s6  }
0xe: {  	s6 =	sor.u32 $0x1C03, s31;
	s7 =	sadd.s32 $0xDA00, s9;
	s8 =	sadd.s32 $0x2A00, s9  }
0xf: {  	s9 =	sadd.s32 $0x67A00, s11;
	s11 =	sshrl.u32 s13, $0x3;
	s13 =	simm.s32 $0x2800  }
.LBB2_1:
0x10: {  	[spmem:s11], [sflag:s6] =	dma.local [hbm:s5], $0x2800  }
0x11: {  	_ =	swait.ge [sflag:s12], $0x2800  }
0x12: {  	[sflag:s12] =	ssyncset.done $0x0  }
0x13: {  	[sflag:s12] =	ssyncadd.s32 $0xFFFFD800  }
0x14: {  	[tilespmem:s3], [sflag:$0x3] =	stream.linear.gather [hbm4b:s7+s3], $0x2800, $0x38;
	[tilespmem:$0x1D000] =	vst v63  }
0x15: {  	_ =	swait.ge [sflag:s12], $0x2800  }
0x16: {  	[sflag:s12] =	ssyncset.done $0x0  }
0x17: {  	[sflag:s12] =	ssyncadd.s32 $0xFFFFD800  }
0x18: {  	[tilespmem:s13], [sflag:$0x3] =	stream.linear.gather [hbm4b:s8+s3], $0x2800, $0x38;
	[tilespmem:$0x1D000] =	vst v63  }
0x19: {  	_ =	swait.ge [sflag:s12], $0x2800  }
0x1a: {  	[sflag:s12] =	ssyncset.done $0x0  }
0x1b: {  	[sflag:s12] =	ssyncadd.s32 $0xFFFFD800  }
0x1c: {  	s19 =	simm.s32 $0x0;
	[bflag:$0x0] =	sbarrier.arrive $0xFFFF  }
0x1d: {  	[tilespmem:s15], [sflag:$0x1] =	stream.indirect.gather [hbm4b:s4+s14], $0x80, s19, s14, $0xb8;
	[tilespmem:$0x1D000] =	vst v63  }
0x1e: {  	_ =	swait.ge [sflag:s16], $0x4000  }
0x1f: {  	[sflag:s16] =	ssyncset.done $0x0  }
0x20: {  	s31 =	simm.s32 $0x2800;
	[sflag:s16] =	ssyncadd.s32 $0xFFFFC000  }
0x21: {  	[spmem:s2] =	stream.indirect.scatter.add.f32 [tilespmem:s15], [sflag:$0x2], $0x80, s31, s14, $0xb8;
	[tilespmem:$0x1D000] =	vst v63  }
0x22: {  	_ =	swait.ge [sflag:s17], $0x4000  }
0x23: {  	s20 =	simm.s32 $0x400;
	s19 =	simm.s32 $0x200;
	[sflag:s17] =	ssyncset.done $0x0  }
.LBB2_2:
0x24: {  	s21 =	sshra.s32 s19, $0x2  }
0x25: {  	[sflag:s17] =	ssyncadd.s32 $0xFFFFC000;
	s19 =	smov.u32 s20;
	s22 =	sadd.s32 $0x200, s20  }
0x26: {  	[tilespmem:s15], [sflag:$0x1] =	stream.indirect.gather [hbm4b:s4+s14], $0x80, s21, s14, $0xb8;
	[tilespmem:$0x1D000] =	vst v63  }
0x27: {  	p0 =	sne.s32 s20, $0x9E00;
	_ =	swait.ge [sflag:s16], $0x4000  }
.Ltmp0:
0x28: {  	[sflag:s16] =	ssyncset.done $0x0;
	(pc) =	sbr.rel @p0 .LBB2_2-.Ltmp0, $4  }
0x29: {  	s20 =	sadd.s32 $0x2800, s21;
	[sflag:s16] =	ssyncadd.s32 $0xFFFFC000  }
0x2a: {  	[spmem:s2] =	stream.indirect.scatter.add.f32 [tilespmem:s15], [sflag:$0x2], $0x80, s20, s14, $0xb8;
	[tilespmem:$0x1D000] =	vst v63  }
0x2b: {  	_ =	swait.ge [sflag:s17], $0x4000  }
0x2c: {  	s20 =	smov.u32 s22;
	[sflag:s17] =	ssyncset.done $0x0  }
0x2d: {  	s19 =	sshra.s32 s19, $0x2;
	[sflag:s17] =	ssyncadd.s32 $0xFFFFC000  }
0x2e: {  	[tilespmem:s15], [sflag:$0x1] =	stream.indirect.gather [hbm4b:s4+s14], $0x80, s19, s14, $0xb8;
	[tilespmem:$0x1D000] =	vst v63  }
0x2f: {  	_ =	swait.ge [sflag:s16], $0x4000  }
0x30: {  	[sflag:s16] =	ssyncset.done $0x0  }
0x31: {  	s19 =	sadd.s32 $0x2800, s19;
	[sflag:s16] =	ssyncadd.s32 $0xFFFFC000  }
0x32: {  	[spmem:s2] =	stream.indirect.scatter.add.f32 [tilespmem:s15], [sflag:$0x2], $0x80, s19, s14, $0xb8;
	[tilespmem:$0x1D000] =	vst v63  }
0x33: {  	_ =	swait.ge [sflag:s17], $0x4000  }
0x34: {  	s18 =	sadd.s32 $0x1, s18;
	[sflag:s17] =	ssyncset.done $0x0  }
0x35: {  	p0 =	sne.s32 s18, s10;
	[sflag:s17] =	ssyncadd.s32 $0xFFFFC000  }
.Ltmp1:
0x36: {  	[bflag:$0x0] =	sbarrier.arrive $0xFFFF;
	(pc) =	sbr.rel @p0 .LBB2_1-.Ltmp1, $4  }
0x37: {  	[hbm:s9], [sflag:s6] =	dma.local [spmem:s11], $0x2800  }
0x38: {  	_ =	swait.ge [sflag:s12], $0x2800  }
0x39: {  	[sflag:s12] =	ssyncset.done $0x0  }
0x3a: {  	[sflag:s12] =	ssyncadd.s32 $0xFFFFD800  }
0x3b: {  	_ =	sfence.sel $0x180000  }
0x3c: {  	[bflag:$0x0] =	sbarrier.arrive $0xFFFF  }
0x3d: {  	p0 =	sne.s32 s0, $0x0;
	_ =	strace $0x9000004A  }
0x3e: {  	s0 =	sadd.s32 @!p0 $0x100000, s1;
	[bflag:$0x2] =	sbarrier.arrive $0xFFFF  }
0x3f: {  	[sflag:s0] =	ssyncadd.tile.s32 @!p0 $0x1;
	_ =	shalt  }
.Lfunc_end2:
_tile_overlayer_lowered:
.L_overlay_start_2:
0x40: {  	(tag) =	ssettag $0x2  }
0x41: {  	s0 =	rddreg [dreg:$0x0];
	s2 =	stileid.u32  }
0x42: {  	s1 =	rddreg [dreg:$0x1];
	p0 =	sne.s32 s2, $0x0  }
0x43: {  	s3 =	rddreg [dreg:$0x2];
	[bflag:$0x3] =	sbarrier.arrive $0xFFFF;
	s2 =	simm.s32 @!p0 $0x1C03  }
0x44: {  	[timem:s3], [sflag:s2] =	dma.local @!p0 [hbm:s0], s1  }
0x45: {  	s0 =	simm.s32 @!p0 $0x3  }
0x46: {  	_ =	swait.ge @!p0 [sflag:s0], s1  }
0x47: {  	s1 =	ssub.s32 @!p0 $0x0, s1;
	[sflag:s0] =	ssyncset.done @!p0 $0x0  }
0x48: {  	[sflag:s0] =	ssyncadd.s32 @!p0 s1  }
0x49: {  	[bflag:$0x3] =	sbarrier.arrive $0xFFFF  }
0x4a: {  	_ =	shalt  }

// kernel: kernel.14.cloned.1.call-start
scs
__scs_entry_jumppad:
0x0: {  	(pc) =	sbr.rel $0x88, $3  }
0x1: {  	(tag) =	ssettag $0x0;
	lr =	simm.s32 $0x1  }
0x2: {  	[smem:$0x3F98] =	sst lr;
	_ =	strace $0xD0000000  }
0x3: {  	_ = 	snop  }
0x4: {  	_ = 	snop  }
0x5: {  	_ = 	snop  }
0x6: {  	_ = 	snop  }
0x7: {  	_ = 	snop  }
__scs_overlays_trampoline_lowered:
0x8: {  	[smem:$0x3FA7] =	sst s0  }
0x9: {  	[smem:$0x3FA8] =	sst s1  }
0xa: {  	[smem:$0x3FA9] =	sst s2  }
0xb: {  	[smem:$0x3FAA] =	sst s3  }
0xc: {  	[smem:$0x3FAB] =	sst s4  }
0xd: {  	[smem:$0x3FAC] =	sst s5  }
0xe: {  	[smem:$0x3FAD] =	sst s6  }
0xf: {  	[smem:$0x3FAE] =	sst s7  }
0x10: {  	[smem:$0x3FAF] =	sst s8  }
0x11: {  	[smem:$0x3FB0] =	sst s9;
	s0 =	simm.s32 @!p0 $0x0  }
0x12: {  	s1 =	sld [smem:$0x3F96];
	s0 =	simm.s32 @p0 $0x1  }
0x13: {  	[smem:$0x3FB1] =	sst s0;
	s0 =	simm.s32 @!p1 $0x0  }
0x14: {  	s2 =	sld [smem:$0x3F95];
	s0 =	simm.s32 @p1 $0x1  }
0x15: {  	[smem:$0x3FB2] =	sst s0;
	s0 =	simm.s32 @!p2 $0x0  }
0x16: {  	s3 =	sld [smem:$0x3FDB];
	s0 =	simm.s32 @p2 $0x1  }
0x17: {  	s4 =	simm.s32 $0x1BF5;
	[smem:$0x3FB4] =	sst s0  }
0x18: {  	s0 =	sld [smem:$0x3F97];
	_ =	swait.ge [sflag:s4], $0x0  }
0x19: {  	s7 =	sld [smem:$0x3F98]  }
0x1a: {  	s8 =	sadd.s32 $0xFFFFE003, lr  }
0x1b: {  	s9 =	sadd.s32 $0xFFFFFEF7, lr;
	s5 =	simm.s32 $0xFFFFFFFF;
	p2 =	slt.u32 s8, $0xFFFFF086  }
0x1c: {  	p1 =	slt.u32 s9, $0xF7A;
	s5 =	simm.s32 @!p2 $0x0  }
0x1d: {  	s5 =	simm.s32 @p1 $0x1;
	p0 =	seq.s32 s7, s2  }
0x1e: {  	s7 =	smul.u32 @!p0 $0xF7A, s2;
	p2 =	seq.s32 @!p0 s5, $0x0  }
0x1f: {  	s9 =	smul.u32 $0xF7A, s1;
	s8 =	simm.s32 @!p0 $0x1BF5;
	p2 =	por !p2, p0  }
0x20: {  	[sflag:s8] =	ssyncset.s32 @!p0 $0xFFFFF086;
	s6 =	sadd.s32 @!p0 s3, s7;
	s7 =	simm.s32 @!p0 $0x108  }
0x21: {  	s3 =	sadd.s32 s3, s9;
	s6 =	sadd.s32 @!p0 $0x88, s6;
	s7 =	simm.s32 @p2 $0x1082  }
0x22: {  	[simem:s7], [sflag:s8] =	dma.local @!p0 [hbm:s6], $0xF7A  }
0x23: {  	s9 =	sor.u32 $0xD0000000, s2;
	s6 =	simm.s32 $0x108;
	_ =	swait.ge @!p0 [sflag:s8], $0x0  }
0x24: {  	s3 =	sadd.s32 $0x88, s3;
	s6 =	simm.s32 @!p1 $0x1082;
	[sflag:s4] =	ssyncset.s32 $0xFFFFF086  }
0x25: {  	[simem:s6], [sflag:s4] =	dma.local [hbm:s3], $0xF7A  }
0x26: {  	[smem:$0x3F98] =	sst s1;
	(tag) =	ssettag s2;
	_ =	strace s9  }
0x27: {  	s1 =	sld [smem:$0x3FA8]  }
0x28: {  	s2 =	sld [smem:$0x3FA9]  }
0x29: {  	s4 =	sld [smem:$0x3FAB]  }
0x2a: {  	p0 =	seq.s32 s5, $0x0;
	s5 =	sld [smem:$0x3FAC]  }
0x2b: {  	s6 =	sld [smem:$0x3FAD]  }
0x2c: {  	s7 =	sld [smem:$0x3FAE]  }
0x2d: {  	s3 =	simm.s32 $0x108;
	s8 =	sld [smem:$0x3FAF]  }
0x2e: {  	s3 =	simm.s32 @!p0 $0x1082;
	s9 =	sld [smem:$0x3FB0]  }
0x2f: {  	lr =	sadd.s32 s0, s3;
	s0 =	sld [smem:$0x3FA7]  }
0x30: {  	s3 =	sld [smem:$0x3FAA]  }
0x31: {  	[smem:$0x3FB3] =	sst s10  }
0x32: {  	s10 =	sld [smem:$0x3FB1];
	_ =	sdelay $0x3  }
0x33: {  	p0 =	seq.s32 s10, $0x1;
	s10 =	sld [smem:$0x3FB3];
	_ =	sdelay $0x3  }
0x34: {  	[smem:$0x3FB3] =	sst s10  }
0x35: {  	s10 =	sld [smem:$0x3FB2];
	_ =	sdelay $0x3  }
0x36: {  	p1 =	seq.s32 s10, $0x1;
	s10 =	sld [smem:$0x3FB3];
	_ =	sdelay $0x3  }
0x37: {  	[smem:$0x3FB3] =	sst s10  }
0x38: {  	s10 =	sld [smem:$0x3FB4]  }
0x39: {  	_ = 	snop;
	(pc) =	sbr.ind lr, $3  }
0x3a: {  	_ = 	snop  }
0x3b: {  	_ = 	snop  }
0x3c: {  	p2 =	seq.s32 s10, $0x1;
	s10 =	sld [smem:$0x3FB3]  }
0x3d: {  	_ =	shalt  }
0x3e: {  	_ =	shalt  }
0x3f: {  	_ =	shalt  }
0x40: {  	_ =	shalt  }
0x41: {  	_ =	shalt  }
0x42: {  	_ =	shalt  }
0x43: {  	_ =	shalt  }
0x44: {  	_ =	shalt  }
0x45: {  	_ =	shalt  }
0x46: {  	_ =	shalt  }
0x47: {  	_ =	shalt  }
0x48: {  	_ =	shalt  }
0x49: {  	_ =	shalt  }
0x4a: {  	_ =	shalt  }
0x4b: {  	_ =	shalt  }
0x4c: {  	_ =	shalt  }
0x4d: {  	_ =	shalt  }
0x4e: {  	_ =	shalt  }
0x4f: {  	_ =	shalt  }
0x50: {  	_ =	shalt  }
0x51: {  	_ =	shalt  }
0x52: {  	_ =	shalt  }
0x53: {  	_ =	shalt  }
0x54: {  	_ =	shalt  }
0x55: {  	_ =	shalt  }
0x56: {  	_ =	shalt  }
0x57: {  	_ =	shalt  }
0x58: {  	_ =	shalt  }
0x59: {  	_ =	shalt  }
0x5a: {  	_ =	shalt  }
0x5b: {  	_ =	shalt  }
0x5c: {  	_ =	shalt  }
0x5d: {  	_ =	shalt  }
0x5e: {  	_ =	shalt  }
0x5f: {  	_ =	shalt  }
0x60: {  	_ =	shalt  }
0x61: {  	_ =	shalt  }
0x62: {  	_ =	shalt  }
0x63: {  	_ =	shalt  }
0x64: {  	_ =	shalt  }
0x65: {  	_ =	shalt  }
0x66: {  	_ =	shalt  }
0x67: {  	_ =	shalt  }
0x68: {  	_ =	shalt  }
0x69: {  	_ =	shalt  }
0x6a: {  	_ =	shalt  }
0x6b: {  	_ =	shalt  }
0x6c: {  	_ =	shalt  }
0x6d: {  	_ =	shalt  }
0x6e: {  	_ =	shalt  }
0x6f: {  	_ =	shalt  }
0x70: {  	_ =	shalt  }
0x71: {  	_ =	shalt  }
0x72: {  	_ =	shalt  }
0x73: {  	_ =	shalt  }
0x74: {  	_ =	shalt  }
0x75: {  	_ =	shalt  }
0x76: {  	_ =	shalt  }
0x77: {  	_ =	shalt  }
0x78: {  	_ =	shalt  }
0x79: {  	_ =	shalt  }
0x7a: {  	_ =	shalt  }
0x7b: {  	_ =	shalt  }
0x7c: {  	_ =	shalt  }
0x7d: {  	_ =	shalt  }
0x7e: {  	_ =	shalt  }
0x7f: {  	_ =	shalt  }
0x80: {  	_ =	shalt  }
0x81: {  	_ =	shalt  }
0x82: {  	_ =	shalt  }
0x83: {  	_ =	shalt  }
0x84: {  	_ =	shalt  }
0x85: {  	_ =	shalt  }
0x86: {  	_ =	shalt  }
0x87: {  	_ =	shalt  }
.Lfunc_end0:
.L_simem_size_0:
called_computation.2_lowered:
.L_overlay_start_0:
0x88: {  	s2 =	sld [smem:$0x3FD9]  }
0x89: {  	s3 =	sld [smem:$0x3FFE];
	_ =	sdelay $0x1  }
0x8a: {  	s1 =	srdreg.scid  }
0x8b: {  	s0 =	sand.u32 $0x1, s1  }
0x8c: {  	s16 =	sshll.u32 s0, $0xA;
	s2 =	sadd.s32 s3, s2  }
0x8d: {  	s2 =	sadd.s32 s2, s16  }
0x8e: {  	[smem:$0x3FBF] =	sst s2  }
0x8f: {  	_ = 	snop  }
0x90: {  	(tm) =	ssettm $0x1  }
0x91: {  	s17 =	sld [smem:$0x3FFB];
	_ =	sdelay $0x3  }
0x92: {  	_ =	strace s17  }
0x93: {  	s2 =	sld [smem:$0x3FFC];
	_ =	sdelay $0x3  }
0x94: {  	_ =	strace s2  }
0x95: {  	s2 =	sld [smem:$0x3FFD];
	_ =	sdelay $0x3  }
0x96: {  	_ =	strace s2  }
0x97: {  	_ =	strace $0x8FFFFFFF  }
0x98: {  	s18 =	sld [smem:$0x3FDB];
	_ =	sdelay $0x1  }
0x99: {  	s19 =	simm.s32 $_scs_section_size  }
0x9a: {  	s4 =	simm.s32 $_size__tile_overlayer_lowered;
	s5 =	simm.s32 $_tile_overlayer_lowered  }
0x9b: {  	s22 =	simm.s32 $0x1BFF;
	s21 =	sshll.u32 s5, $0x1;
	s2 =	sadd.s32 s19, s18  }
0x9c: {  	s6 =	simm.s32 $0x0;
	s20 =	sshll.u32 s4, $0x1;
	s4 =	sadd.s32 s21, s2  }
0x9d: {  	[timem:s6], [sflag:s22] =	dma.local [hbm:s4], s20  }
0x9e: {  	_ =	swait.ge [sflag:s22], s20  }
0x9f: {  	s3 =	ssub.s32 $0x0, s20;
	[sflag:s22] =	ssyncset.done $0x0  }
0xa0: {  	[sflag:s22] =	ssyncadd.s32 s3;
	_ =	sdelay $0x1  }
0xa1: {  	s23 =	simm.s32 $0x1B8B  }
0xa2: {  	_ =	swait.ge [sflag:s23], $0x1  }
0xa3: {  	[sflag:s23] =	ssyncset.done $0x0  }
0xa4: {  	s25 =	simm.s32 $0x1B8E;
	s24 =	sld [smem:$0x3FFE];
	[sflag:s23] =	ssyncadd.s32 $0xFFFFFFFF  }
0xa5: {  	s26 =	simm.s32 $execute0_lowered;
	[smem:$0x3FD2] =	sst s25  }
0xa6: {  	s4 =	sshll.u32 s26, $0x1;
	_ =	strace $0x8000004C;
	[dreg:$0x1] =	wrdreg $0xFFFFFFFF  }
0xa7: {  	s28 =	simm.s32 $_size_execute0_lowered;
	s2 =	sadd.s32 s2, s4;
	[dreg:$0x0] =	wrdreg $0x0  }
0xa8: {  	s4 =	sshll.u32 s28, $0x1;
	[dreg:$0x2] =	wrdreg s2  }
0xa9: {  	[dreg:$0x3] =	wrdreg s4  }
0xaa: {  	[dreg:$0x4] =	wrdreg $0xC0  }
0xab: {  	_ =	task [dreg:s6], $0x5FFFF  }
0xac: {  	[dreg:$0x1] =	wrdreg $0xFFFFFFFF  }
0xad: {  	[dreg:$0x0] =	wrdreg $0x60  }
0xae: {  	[dreg:$0x2] =	wrdreg s24  }
0xaf: {  	[dreg:$0x3] =	wrdreg $0x90000  }
0xb0: {  	[dreg:$0x4] =	wrdreg $0x9  }
0xb1: {  	_ =	task.clear_ibuf [dreg:s6], $0x5FFFF;
	_ =	strace $0x9000004C  }
0xb2: {  	s29 =	simm.s32 $0x9;
	_ =	strace $0x8000004E  }
0xb3: {  	_ =	swait.ge [sflag:s29], $0x1  }
0xb4: {  	[sflag:s29] =	ssyncadd.s32 $0xFFFFFFFF  }
0xb5: {  	_ =	strace $0x9000004E  }
0xb6: {  	_ =	sfence  }
0xb7: {  	s30 =	sld [smem:$0x0];
	_ =	sdelay $0x2  }
0xb8: {  	s31 =	sshll.u32 s1, $0xD;
	s1 =	sshrl.u32 s1, $0x2  }
0xb9: {  	s3 =	sand.u32 $0x4000, s31;
	s1 =	sadd.s32 s1, s30  }
0xba: {  	s0 =	sor.u32 s3, s0;
	s1 =	sshll.u32 s1, $0x11  }
0xbb: {  	s0 =	sor.u32 s1, s0  }
0xbc: {  	s0 =	sadd.s32 $0x8F2B, s0  }
0xbd: {  	[sflag:s0] =	ssyncadd.remote.s32 $0x1  }
0xbe: {  	_ =	sfence.sel $0xFFFF  }
0xbf: {  	[dreg:$0x0] =	wrdreg $0xFFFFFFFF;
	(pc) =	sbr.abs _section_cstart, $3  }
0xc0: {  	[dreg:$0x1] =	wrdreg $0xFFFFFFFF  }
0xc1: {  	_ =	task.clear_ibuf [dreg:s6], $0x2FFFF;
	_ =	strace $0x9FFFFFFF  }
0xc2: {  	(tm) =	ssettm $0x7FFFFFFF  }
0xc3: {  	_ =	shalt  }
tec
execute0_lowered:
.L_overlay_start_1:
0x0: {  	(tag) =	ssettag $0x1  }
0x1: {  	s6 =	rddreg [dreg:$0x0]  }
0x2: {  	s0 =	srdreg.scid;
	s2 =	rddreg [dreg:$0x1]  }
0x3: {  	s3 =	simm.s32 $0x0;
	s14 =	simm.s32 $0x80;
	s5 =	sand.u32 $0x1, s0  }
0x4: {  	s15 =	simm.s32 $0x5000;
	s0 =	stileid.u32;
	s7 =	smul.u32 $0x140000, s5  }
0x5: {  	s16 =	simm.s32 $0x1;
	s17 =	simm.s32 $0x2;
	s8 =	smul.u32 $0x14000, s0  }
0x6: {  	s18 =	simm.s32 $0x0;
	[smem:$0x7FF] =	sst s3;
	s10 =	smul.u32 $0x2800, s0  }
0x7: {  	s1 =	sshll.u32 s5, $0x4;
	s5 =	ssub.s32 $0x2, s5;
	s28 =	smul.u32 $0x50000, s0  }
0x8: {  	s31 =	sshll.u32 s0, $0x6;
	s1 =	sor.u32 s0, s1;
	s29 =	sshrl.u32 s5, $0x1  }
0x9: {  	s4 =	smul.u32 $0x500, s1;
	s1 =	rddreg [dreg:$0x2];
	_ =	strace $0x8000004D  }
0xa: {  	s7 =	sadd.s32 s8, s7;
	s10 =	sadd.s32 s10, s6;
	s30 =	sshrl.u32 s28, $0x2  }
0xb: {  	s12 =	ssub.s32 s5, s29;
	s7 =	sshrl.u32 s7, $0x3;
	s13 =	sadd.s32 s30, s2  }
0xc: {  	s5 =	sadd.s32 $0x3FA00, s10;
	s10 =	smax.u32 s12, $0x1;
	s12 =	simm.s32 $0x3  }
0xd: {  	s9 =	sadd.s32 s4, s6;
	s4 =	sadd.s32 $0x17A00, s6;
	s11 =	sadd.s32 s7, s6  }
0xe: {  	s6 =	sor.u32 $0x1C03, s31;
	s7 =	sadd.s32 $0xDA00, s9;
	s8 =	sadd.s32 $0x2A00, s9  }
0xf: {  	s9 =	sadd.s32 $0x67A00, s11;
	s11 =	sshrl.u32 s13, $0x3;
	s13 =	simm.s32 $0x2800  }
.LBB2_1:
0x10: {  	[spmem:s11], [sflag:s6] =	dma.local [hbm:s5], $0x2800  }
0x11: {  	_ =	swait.ge [sflag:s12], $0x2800  }
0x12: {  	[sflag:s12] =	ssyncset.done $0x0  }
0x13: {  	[sflag:s12] =	ssyncadd.s32 $0xFFFFD800  }
0x14: {  	[tilespmem:s3], [sflag:$0x3] =	stream.linear.gather [hbm4b:s7+s3], $0x2800, $0x38;
	[tilespmem:$0x1D000] =	vst v63  }
0x15: {  	_ =	swait.ge [sflag:s12], $0x2800  }
0x16: {  	[sflag:s12] =	ssyncset.done $0x0  }
0x17: {  	[sflag:s12] =	ssyncadd.s32 $0xFFFFD800  }
0x18: {  	[tilespmem:s13], [sflag:$0x3] =	stream.linear.gather [hbm4b:s8+s3], $0x2800, $0x38;
	[tilespmem:$0x1D000] =	vst v63  }
0x19: {  	_ =	swait.ge [sflag:s12], $0x2800  }
0x1a: {  	[sflag:s12] =	ssyncset.done $0x0  }
0x1b: {  	[sflag:s12] =	ssyncadd.s32 $0xFFFFD800  }
0x1c: {  	s19 =	simm.s32 $0x0;
	[bflag:$0x0] =	sbarrier.arrive $0xFFFF  }
0x1d: {  	[tilespmem:s15], [sflag:$0x1] =	stream.indirect.gather [hbm4b:s4+s14], $0x80, s19, s14, $0xb8;
	[tilespmem:$0x1D000] =	vst v63  }
0x1e: {  	_ =	swait.ge [sflag:s16], $0x4000  }
0x1f: {  	[sflag:s16] =	ssyncset.done $0x0  }
0x20: {  	s31 =	simm.s32 $0x2800;
	[sflag:s16] =	ssyncadd.s32 $0xFFFFC000  }
0x21: {  	[spmem:s2] =	stream.indirect.scatter.add.f32 [tilespmem:s15], [sflag:$0x2], $0x80, s31, s14, $0xb8;
	[tilespmem:$0x1D000] =	vst v63  }
0x22: {  	_ =	swait.ge [sflag:s17], $0x4000  }
0x23: {  	s20 =	simm.s32 $0x400;
	s19 =	simm.s32 $0x200;
	[sflag:s17] =	ssyncset.done $0x0  }
.LBB2_2:
0x24: {  	s21 =	sshra.s32 s19, $0x2  }
0x25: {  	[sflag:s17] =	ssyncadd.s32 $0xFFFFC000;
	s19 =	smov.u32 s20;
	s22 =	sadd.s32 $0x200, s20  }
0x26: {  	[tilespmem:s15], [sflag:$0x1] =	stream.indirect.gather [hbm4b:s4+s14], $0x80, s21, s14, $0xb8;
	[tilespmem:$0x1D000] =	vst v63  }
0x27: {  	p0 =	sne.s32 s20, $0x9E00;
	_ =	swait.ge [sflag:s16], $0x4000  }
.Ltmp0:
0x28: {  	[sflag:s16] =	ssyncset.done $0x0;
	(pc) =	sbr.rel @p0 .LBB2_2-.Ltmp0, $4  }
0x29: {  	s20 =	sadd.s32 $0x2800, s21;
	[sflag:s16] =	ssyncadd.s32 $0xFFFFC000  }
0x2a: {  	[spmem:s2] =	stream.indirect.scatter.add.f32 [tilespmem:s15], [sflag:$0x2], $0x80, s20, s14, $0xb8;
	[tilespmem:$0x1D000] =	vst v63  }
0x2b: {  	_ =	swait.ge [sflag:s17], $0x4000  }
0x2c: {  	s20 =	smov.u32 s22;
	[sflag:s17] =	ssyncset.done $0x0  }
0x2d: {  	s19 =	sshra.s32 s19, $0x2;
	[sflag:s17] =	ssyncadd.s32 $0xFFFFC000  }
0x2e: {  	[tilespmem:s15], [sflag:$0x1] =	stream.indirect.gather [hbm4b:s4+s14], $0x80, s19, s14, $0xb8;
	[tilespmem:$0x1D000] =	vst v63  }
0x2f: {  	_ =	swait.ge [sflag:s16], $0x4000  }
0x30: {  	[sflag:s16] =	ssyncset.done $0x0  }
0x31: {  	s19 =	sadd.s32 $0x2800, s19;
	[sflag:s16] =	ssyncadd.s32 $0xFFFFC000  }
0x32: {  	[spmem:s2] =	stream.indirect.scatter.add.f32 [tilespmem:s15], [sflag:$0x2], $0x80, s19, s14, $0xb8;
	[tilespmem:$0x1D000] =	vst v63  }
0x33: {  	_ =	swait.ge [sflag:s17], $0x4000  }
0x34: {  	s18 =	sadd.s32 $0x1, s18;
	[sflag:s17] =	ssyncset.done $0x0  }
0x35: {  	p0 =	sne.s32 s18, s10;
	[sflag:s17] =	ssyncadd.s32 $0xFFFFC000  }
.Ltmp1:
0x36: {  	[bflag:$0x0] =	sbarrier.arrive $0xFFFF;
	(pc) =	sbr.rel @p0 .LBB2_1-.Ltmp1, $4  }
0x37: {  	[hbm:s9], [sflag:s6] =	dma.local [spmem:s11], $0x2800  }
0x38: {  	_ =	swait.ge [sflag:s12], $0x2800  }
0x39: {  	[sflag:s12] =	ssyncset.done $0x0  }
0x3a: {  	[sflag:s12] =	ssyncadd.s32 $0xFFFFD800  }
0x3b: {  	_ =	sfence.sel $0x180000  }
0x3c: {  	[bflag:$0x0] =	sbarrier.arrive $0xFFFF  }
0x3d: {  	p0 =	sne.s32 s0, $0x0;
	_ =	strace $0x9000004D  }
0x3e: {  	s0 =	sadd.s32 @!p0 $0x100000, s1;
	[bflag:$0x2] =	sbarrier.arrive $0xFFFF  }
0x3f: {  	[sflag:s0] =	ssyncadd.tile.s32 @!p0 $0x1;
	_ =	shalt  }
.Lfunc_end2:
_tile_overlayer_lowered:
.L_overlay_start_2:
0x40: {  	(tag) =	ssettag $0x2  }
0x41: {  	s0 =	rddreg [dreg:$0x0];
	s2 =	stileid.u32  }
0x42: {  	s1 =	rddreg [dreg:$0x1];
	p0 =	sne.s32 s2, $0x0  }
0x43: {  	s3 =	rddreg [dreg:$0x2];
	[bflag:$0x3] =	sbarrier.arrive $0xFFFF;
	s2 =	simm.s32 @!p0 $0x1C03  }
0x44: {  	[timem:s3], [sflag:s2] =	dma.local @!p0 [hbm:s0], s1  }
0x45: {  	s0 =	simm.s32 @!p0 $0x3  }
0x46: {  	_ =	swait.ge @!p0 [sflag:s0], s1  }
0x47: {  	s1 =	ssub.s32 @!p0 $0x0, s1;
	[sflag:s0] =	ssyncset.done @!p0 $0x0  }
0x48: {  	[sflag:s0] =	ssyncadd.s32 @!p0 s1  }
0x49: {  	[bflag:$0x3] =	sbarrier.arrive $0xFFFF  }
0x4a: {  	_ =	shalt  }

// kernel: kernel.8.cloned.1.call-start
scs
__scs_entry_jumppad:
0x0: {  	(pc) =	sbr.rel $0x88, $3  }
0x1: {  	(tag) =	ssettag $0x0;
	lr =	simm.s32 $0x1  }
0x2: {  	[smem:$0x3F98] =	sst lr;
	_ =	strace $0xD0000000  }
0x3: {  	_ = 	snop  }
0x4: {  	_ = 	snop  }
0x5: {  	_ = 	snop  }
0x6: {  	_ = 	snop  }
0x7: {  	_ = 	snop  }
__scs_overlays_trampoline_lowered:
0x8: {  	[smem:$0x3FA7] =	sst s0  }
0x9: {  	[smem:$0x3FA8] =	sst s1  }
0xa: {  	[smem:$0x3FA9] =	sst s2  }
0xb: {  	[smem:$0x3FAA] =	sst s3  }
0xc: {  	[smem:$0x3FAB] =	sst s4  }
0xd: {  	[smem:$0x3FAC] =	sst s5  }
0xe: {  	[smem:$0x3FAD] =	sst s6  }
0xf: {  	[smem:$0x3FAE] =	sst s7  }
0x10: {  	[smem:$0x3FAF] =	sst s8  }
0x11: {  	[smem:$0x3FB0] =	sst s9;
	s0 =	simm.s32 @!p0 $0x0  }
0x12: {  	s1 =	sld [smem:$0x3F96];
	s0 =	simm.s32 @p0 $0x1  }
0x13: {  	[smem:$0x3FB1] =	sst s0;
	s0 =	simm.s32 @!p1 $0x0  }
0x14: {  	s2 =	sld [smem:$0x3F95];
	s0 =	simm.s32 @p1 $0x1  }
0x15: {  	[smem:$0x3FB2] =	sst s0;
	s0 =	simm.s32 @!p2 $0x0  }
0x16: {  	s3 =	sld [smem:$0x3FDB];
	s0 =	simm.s32 @p2 $0x1  }
0x17: {  	s4 =	simm.s32 $0x1BF5;
	[smem:$0x3FB4] =	sst s0  }
0x18: {  	s0 =	sld [smem:$0x3F97];
	_ =	swait.ge [sflag:s4], $0x0  }
0x19: {  	s7 =	sld [smem:$0x3F98]  }
0x1a: {  	s8 =	sadd.s32 $0xFFFFE003, lr  }
0x1b: {  	s9 =	sadd.s32 $0xFFFFFEF7, lr;
	s5 =	simm.s32 $0xFFFFFFFF;
	p2 =	slt.u32 s8, $0xFFFFF086  }
0x1c: {  	p1 =	slt.u32 s9, $0xF7A;
	s5 =	simm.s32 @!p2 $0x0  }
0x1d: {  	s5 =	simm.s32 @p1 $0x1;
	p0 =	seq.s32 s7, s2  }
0x1e: {  	s7 =	smul.u32 @!p0 $0xF7A, s2;
	p2 =	seq.s32 @!p0 s5, $0x0  }
0x1f: {  	s9 =	smul.u32 $0xF7A, s1;
	s8 =	simm.s32 @!p0 $0x1BF5;
	p2 =	por !p2, p0  }
0x20: {  	[sflag:s8] =	ssyncset.s32 @!p0 $0xFFFFF086;
	s6 =	sadd.s32 @!p0 s3, s7;
	s7 =	simm.s32 @!p0 $0x108  }
0x21: {  	s3 =	sadd.s32 s3, s9;
	s6 =	sadd.s32 @!p0 $0x88, s6;
	s7 =	simm.s32 @p2 $0x1082  }
0x22: {  	[simem:s7], [sflag:s8] =	dma.local @!p0 [hbm:s6], $0xF7A  }
0x23: {  	s9 =	sor.u32 $0xD0000000, s2;
	s6 =	simm.s32 $0x108;
	_ =	swait.ge @!p0 [sflag:s8], $0x0  }
0x24: {  	s3 =	sadd.s32 $0x88, s3;
	s6 =	simm.s32 @!p1 $0x1082;
	[sflag:s4] =	ssyncset.s32 $0xFFFFF086  }
0x25: {  	[simem:s6], [sflag:s4] =	dma.local [hbm:s3], $0xF7A  }
0x26: {  	[smem:$0x3F98] =	sst s1;
	(tag) =	ssettag s2;
	_ =	strace s9  }
0x27: {  	s1 =	sld [smem:$0x3FA8]  }
0x28: {  	s2 =	sld [smem:$0x3FA9]  }
0x29: {  	s4 =	sld [smem:$0x3FAB]  }
0x2a: {  	p0 =	seq.s32 s5, $0x0;
	s5 =	sld [smem:$0x3FAC]  }
0x2b: {  	s6 =	sld [smem:$0x3FAD]  }
0x2c: {  	s7 =	sld [smem:$0x3FAE]  }
0x2d: {  	s3 =	simm.s32 $0x108;
	s8 =	sld [smem:$0x3FAF]  }
0x2e: {  	s3 =	simm.s32 @!p0 $0x1082;
	s9 =	sld [smem:$0x3FB0]  }
0x2f: {  	lr =	sadd.s32 s0, s3;
	s0 =	sld [smem:$0x3FA7]  }
0x30: {  	s3 =	sld [smem:$0x3FAA]  }
0x31: {  	[smem:$0x3FB3] =	sst s10  }
0x32: {  	s10 =	sld [smem:$0x3FB1];
	_ =	sdelay $0x3  }
0x33: {  	p0 =	seq.s32 s10, $0x1;
	s10 =	sld [smem:$0x3FB3];
	_ =	sdelay $0x3  }
0x34: {  	[smem:$0x3FB3] =	sst s10  }
0x35: {  	s10 =	sld [smem:$0x3FB2];
	_ =	sdelay $0x3  }
0x36: {  	p1 =	seq.s32 s10, $0x1;
	s10 =	sld [smem:$0x3FB3];
	_ =	sdelay $0x3  }
0x37: {  	[smem:$0x3FB3] =	sst s10  }
0x38: {  	s10 =	sld [smem:$0x3FB4]  }
0x39: {  	_ = 	snop;
	(pc) =	sbr.ind lr, $3  }
0x3a: {  	_ = 	snop  }
0x3b: {  	_ = 	snop  }
0x3c: {  	p2 =	seq.s32 s10, $0x1;
	s10 =	sld [smem:$0x3FB3]  }
0x3d: {  	_ =	shalt  }
0x3e: {  	_ =	shalt  }
0x3f: {  	_ =	shalt  }
0x40: {  	_ =	shalt  }
0x41: {  	_ =	shalt  }
0x42: {  	_ =	shalt  }
0x43: {  	_ =	shalt  }
0x44: {  	_ =	shalt  }
0x45: {  	_ =	shalt  }
0x46: {  	_ =	shalt  }
0x47: {  	_ =	shalt  }
0x48: {  	_ =	shalt  }
0x49: {  	_ =	shalt  }
0x4a: {  	_ =	shalt  }
0x4b: {  	_ =	shalt  }
0x4c: {  	_ =	shalt  }
0x4d: {  	_ =	shalt  }
0x4e: {  	_ =	shalt  }
0x4f: {  	_ =	shalt  }
0x50: {  	_ =	shalt  }
0x51: {  	_ =	shalt  }
0x52: {  	_ =	shalt  }
0x53: {  	_ =	shalt  }
0x54: {  	_ =	shalt  }
0x55: {  	_ =	shalt  }
0x56: {  	_ =	shalt  }
0x57: {  	_ =	shalt  }
0x58: {  	_ =	shalt  }
0x59: {  	_ =	shalt  }
0x5a: {  	_ =	shalt  }
0x5b: {  	_ =	shalt  }
0x5c: {  	_ =	shalt  }
0x5d: {  	_ =	shalt  }
0x5e: {  	_ =	shalt  }
0x5f: {  	_ =	shalt  }
0x60: {  	_ =	shalt  }
0x61: {  	_ =	shalt  }
0x62: {  	_ =	shalt  }
0x63: {  	_ =	shalt  }
0x64: {  	_ =	shalt  }
0x65: {  	_ =	shalt  }
0x66: {  	_ =	shalt  }
0x67: {  	_ =	shalt  }
0x68: {  	_ =	shalt  }
0x69: {  	_ =	shalt  }
0x6a: {  	_ =	shalt  }
0x6b: {  	_ =	shalt  }
0x6c: {  	_ =	shalt  }
0x6d: {  	_ =	shalt  }
0x6e: {  	_ =	shalt  }
0x6f: {  	_ =	shalt  }
0x70: {  	_ =	shalt  }
0x71: {  	_ =	shalt  }
0x72: {  	_ =	shalt  }
0x73: {  	_ =	shalt  }
0x74: {  	_ =	shalt  }
0x75: {  	_ =	shalt  }
0x76: {  	_ =	shalt  }
0x77: {  	_ =	shalt  }
0x78: {  	_ =	shalt  }
0x79: {  	_ =	shalt  }
0x7a: {  	_ =	shalt  }
0x7b: {  	_ =	shalt  }
0x7c: {  	_ =	shalt  }
0x7d: {  	_ =	shalt  }
0x7e: {  	_ =	shalt  }
0x7f: {  	_ =	shalt  }
0x80: {  	_ =	shalt  }
0x81: {  	_ =	shalt  }
0x82: {  	_ =	shalt  }
0x83: {  	_ =	shalt  }
0x84: {  	_ =	shalt  }
0x85: {  	_ =	shalt  }
0x86: {  	_ =	shalt  }
0x87: {  	_ =	shalt  }
.Lfunc_end0:
.L_simem_size_0:
called_computation_lowered:
.L_overlay_start_0:
0x88: {  	s2 =	sld [smem:$0x3FD9]  }
0x89: {  	s3 =	sld [smem:$0x3FFE];
	_ =	sdelay $0x1  }
0x8a: {  	s1 =	srdreg.scid  }
0x8b: {  	s0 =	sand.u32 $0x1, s1  }
0x8c: {  	s17 =	sshll.u32 s0, $0xA;
	s2 =	sadd.s32 s3, s2  }
0x8d: {  	s2 =	sadd.s32 s2, s17  }
0x8e: {  	[smem:$0x3FBF] =	sst s2  }
0x8f: {  	_ = 	snop  }
0x90: {  	s2 =	sld [smem:$0x3FD0];
	(tm) =	ssettm $0x1  }
0x91: {  	s18 =	sld [smem:$0x3FFB];
	_ =	sdelay $0x3  }
0x92: {  	_ =	strace s18  }
0x93: {  	s3 =	sld [smem:$0x3FFC];
	_ =	sdelay $0x3  }
0x94: {  	_ =	strace s3  }
0x95: {  	s3 =	sld [smem:$0x3FFD];
	_ =	sdelay $0x3  }
0x96: {  	_ =	strace s3  }
0x97: {  	_ =	strace $0x8FFFFFFF  }
0x98: {  	s19 =	sld [smem:$0x3FDB];
	_ =	sdelay $0x1  }
0x99: {  	s4 =	simm.s32 $_scs_section_size  }
0x9a: {  	s5 =	simm.s32 $_size__tile_overlayer_lowered;
	s6 =	simm.s32 $_tile_overlayer_lowered  }
0x9b: {  	s22 =	simm.s32 $0x1BFF;
	s21 =	sshll.u32 s6, $0x1;
	s3 =	sadd.s32 s4, s19  }
0x9c: {  	s7 =	simm.s32 $0x0;
	s20 =	sshll.u32 s5, $0x1;
	s5 =	sadd.s32 s21, s3  }
0x9d: {  	[timem:s7], [sflag:s22] =	dma.local [hbm:s5], s20  }
0x9e: {  	_ =	swait.ge [sflag:s22], s20  }
0x9f: {  	s4 =	ssub.s32 $0x0, s20;
	[sflag:s22] =	ssyncset.done $0x0  }
0xa0: {  	[sflag:s22] =	ssyncadd.s32 s4;
	_ =	sdelay $0x1  }
0xa1: {  	s23 =	simm.s32 $0x1B8B  }
0xa2: {  	_ =	swait.ge [sflag:s23], $0x1  }
0xa3: {  	[sflag:s23] =	ssyncset.done $0x0  }
0xa4: {  	s25 =	simm.s32 $0x1B8E;
	s24 =	sld [smem:$0x3FFE];
	[sflag:s23] =	ssyncadd.s32 $0xFFFFFFFF  }
0xa5: {  	s26 =	simm.s32 $execute0_lowered;
	[smem:$0x3FD2] =	sst s25  }
0xa6: {  	s5 =	sshll.u32 s26, $0x1;
	_ =	strace $0x80000046;
	[dreg:$0x1] =	wrdreg $0xFFFFFFFF  }
0xa7: {  	s28 =	simm.s32 $_size_execute0_lowered;
	s3 =	sadd.s32 s3, s5;
	[dreg:$0x0] =	wrdreg $0x0  }
0xa8: {  	s5 =	sshll.u32 s28, $0x1;
	[dreg:$0x2] =	wrdreg s3  }
0xa9: {  	[dreg:$0x3] =	wrdreg s5  }
0xaa: {  	[dreg:$0x4] =	wrdreg $0xC0  }
0xab: {  	_ =	task [dreg:s7], $0x5FFFF  }
0xac: {  	[dreg:$0x1] =	wrdreg $0xFFFFFFFF  }
0xad: {  	[dreg:$0x0] =	wrdreg $0x60  }
0xae: {  	[dreg:$0x2] =	wrdreg s24  }
0xaf: {  	[dreg:$0x3] =	wrdreg s2  }
0xb0: {  	[dreg:$0x4] =	wrdreg $0x28800  }
0xb1: {  	[dreg:$0x5] =	wrdreg $0x9  }
0xb2: {  	_ =	task.clear_ibuf [dreg:s7], $0x6FFFF;
	_ =	strace $0x90000046  }
0xb3: {  	s29 =	simm.s32 $0x9;
	_ =	strace $0x80000048  }
0xb4: {  	_ =	swait.ge [sflag:s29], $0x1  }
0xb5: {  	[sflag:s29] =	ssyncadd.s32 $0xFFFFFFFF  }
0xb6: {  	_ =	strace $0x90000048  }
0xb7: {  	_ =	sfence  }
0xb8: {  	s30 =	sld [smem:$0x0];
	_ =	sdelay $0x2  }
0xb9: {  	s31 =	sshll.u32 s1, $0xD;
	s1 =	sshrl.u32 s1, $0x2  }
0xba: {  	s3 =	sand.u32 $0x4000, s31;
	s1 =	sadd.s32 s1, s30  }
0xbb: {  	s0 =	sor.u32 s3, s0;
	s1 =	sshll.u32 s1, $0x11  }
0xbc: {  	s0 =	sor.u32 s1, s0  }
0xbd: {  	s0 =	sadd.s32 $0x8F2B, s0  }
0xbe: {  	[sflag:s0] =	ssyncadd.remote.s32 $0x1  }
0xbf: {  	_ =	sfence.sel $0xFFFF  }
0xc0: {  	[dreg:$0x0] =	wrdreg $0xFFFFFFFF;
	(pc) =	sbr.abs _section_cstart, $3  }
0xc1: {  	[dreg:$0x1] =	wrdreg $0xFFFFFFFF  }
0xc2: {  	_ =	task.clear_ibuf [dreg:s7], $0x2FFFF;
	_ =	strace $0x9FFFFFFF  }
0xc3: {  	(tm) =	ssettm $0x7FFFFFFF  }
tec
execute0_lowered:
.L_overlay_start_1:
0x0: {  	(tag) =	ssettag $0x1  }
0x1: {  	s5 =	rddreg [dreg:$0x0]  }
0x2: {  	s2 =	rddreg [dreg:$0x1]  }
0x3: {  	s3 =	rddreg [dreg:$0x2];
	s4 =	srdreg.scid  }
0x4: {  	s0 =	rddreg [dreg:$0x3];
	s1 =	stileid.u32;
	s12 =	simm.s32 $0x2800  }
0x5: {  	s13 =	simm.s32 $0x80;
	s14 =	simm.s32 $0x1;
	s15 =	simm.s32 $0x10  }
0x6: {  	s16 =	simm.s32 $0x0;
	s6 =	sand.u32 $0x1, s4;
	s9 =	sshrl.u32 s1, $0x3  }
0x7: {  	s4 =	simm.s32 $0x0;
	s10 =	sshll.u32 s1, $0x7;
	s11 =	smul.u32 $0x280, s1  }
0x8: {  	s31 =	sshll.u32 s1, $0x6;
	s7 =	sshll.u32 s6, $0x4;
	s8 =	smul.u32 $0x2800, s6  }
0x9: {  	s9 =	smul.u32 $0x1400, s9;
	[smem:$0x7FF] =	sst s4;
	s26 =	sand.u32 $0x380, s10  }
0xa: {  	s6 =	ssub.s32 $0x2, s6;
	s7 =	sor.u32 s1, s7;
	_ =	strace $0x80000047  }
0xb: {  	s28 =	sshrl.u32 s11, $0x3;
	s29 =	sshrl.u32 s6, $0x1;
	s11 =	sadd.s32 s11, s3  }
0xc: {  	s7 =	smul.u32 $0x500, s7;
	s8 =	sadd.s32 s8, s9;
	s9 =	sadd.s32 s28, s5  }
0xd: {  	s30 =	ssub.s32 s6, s29;
	s6 =	sor.u32 $0x1C02, s31;
	s8 =	sor.u32 s26, s8  }
0xe: {  	s10 =	sshrl.u32 s11, $0x3;
	s11 =	simm.s32 $0x2;
	s8 =	sshrl.u32 s8, $0x3  }
0xf: {  	s7 =	sadd.s32 s7, s5;
	s8 =	sadd.s32 s8, s5;
	s5 =	sadd.s32 $0xCA00, s9  }
0x10: {  	s7 =	sadd.s32 $0x2A00, s7;
	s9 =	smax.u32 s30, $0x1;
	s8 =	sadd.s32 $0xD000, s8  }
.LBB2_1:
0x11: {  	[spmem:s10], [sflag:s6] =	dma.local [hbm:s5], $0x50  }
0x12: {  	_ =	swait.ge [sflag:s11], $0x50  }
0x13: {  	[sflag:s11] =	ssyncset.done $0x0  }
0x14: {  	[sflag:s11] =	ssyncadd.s32 $0xFFFFFFB0  }
0x15: {  	[tilespmem:s4], [sflag:$0x2] =	stream.linear.gather [hbm4b:s7+s4], $0x2800, $0x38;
	[tilespmem:$0x2B00] =	vst v63  }
0x16: {  	_ =	swait.ge [sflag:s11], $0x2800  }
0x17: {  	[sflag:s11] =	ssyncset.done $0x0  }
0x18: {  	[sflag:s11] =	ssyncadd.s32 $0xFFFFD800  }
0x19: {  	[tilespmem:s12], [sflag:$0x2] =	stream.linear.gather [hbm4b:s2+s4], $0x80, $0x38;
	[tilespmem:$0x2B00] =	vst v63  }
0x1a: {  	_ =	swait.ge [sflag:s11], $0x80  }
0x1b: {  	[sflag:s11] =	ssyncset.done $0x0  }
0x1c: {  	[sflag:s11] =	ssyncadd.s32 $0xFFFFFF80  }
0x1d: {  	s17 =	simm.s32 $0x0;
	[bflag:$0x0] =	sbarrier.arrive $0xFFFF  }
0x1e: {  	[spmem:s3] =	stream.indirect.scatter.add.f32 [tilespmem:s12], [sflag:$0x1], $0x1, s17, s13, $0xb8;
	[tilespmem:$0x2B00] =	vst v63  }
0x1f: {  	_ =	swait.ge [sflag:s14], $0x80  }
0x20: {  	s17 =	simm.s32 $0x200;
	[sflag:s14] =	ssyncset.done $0x0  }
.LBB2_2:
0x21: {  	s18 =	sshra.s32 s17, $0x2;
	[sflag:s14] =	ssyncadd.s32 $0xFFFFFF80;
	p0 =	sne.s32 s17, $0x9E00  }
0x22: {  	[spmem:s3] =	stream.indirect.scatter.add.f32 [tilespmem:s12], [sflag:$0x1], $0x1, s18, s13, $0xb8;
	[tilespmem:$0x2B00] =	vst v63  }
.Ltmp0:
0x23: {  	_ = 	snop;
	(pc) =	sbr.rel @p0 .LBB2_2-.Ltmp0, $4  }
0x24: {  	_ = 	snop  }
0x25: {  	s17 =	sadd.s32 $0x200, s17  }
0x26: {  	_ =	swait.ge [sflag:s14], $0x80  }
0x27: {  	[sflag:s14] =	ssyncset.done $0x0  }
0x28: {  	s16 =	sadd.s32 $0x1, s16  }
0x29: {  	[sflag:s14] =	ssyncadd.s32 $0xFFFFFF80;
	p0 =	sne.s32 s16, s9  }
.Ltmp1:
0x2a: {  	[bflag:$0x0] =	sbarrier.arrive $0xFFFF;
	(pc) =	sbr.rel @p0 .LBB2_1-.Ltmp1, $4  }
0x2b: {  	[hbm:s8@s13], [sflag:s6] =	dma.strided [spmem:s10@s15], $0x50, s14, $0x10   }
0x2c: {  	_ =	swait.ge [sflag:s11], $0x50  }
0x2d: {  	[sflag:s11] =	ssyncset.done $0x0  }
0x2e: {  	[sflag:s11] =	ssyncadd.s32 $0xFFFFFFB0  }
0x2f: {  	_ =	sfence.sel $0x180000  }
0x30: {  	[bflag:$0x0] =	sbarrier.arrive $0xFFFF  }
0x31: {  	p0 =	sne.s32 s1, $0x0;
	_ =	strace $0x90000047  }
0x32: {  	s0 =	sadd.s32 @!p0 $0x100000, s0;
	[bflag:$0x2] =	sbarrier.arrive $0xFFFF  }
0x33: {  	[sflag:s0] =	ssyncadd.tile.s32 @!p0 $0x1;
	_ =	shalt  }
.Lfunc_end2:
_tile_overlayer_lowered:
.L_overlay_start_2:
0x34: {  	(tag) =	ssettag $0x2  }
0x35: {  	s0 =	rddreg [dreg:$0x0];
	s2 =	stileid.u32  }
0x36: {  	s1 =	rddreg [dreg:$0x1];
	p0 =	sne.s32 s2, $0x0  }
0x37: {  	s3 =	rddreg [dreg:$0x2];
	[bflag:$0x3] =	sbarrier.arrive $0xFFFF;
	s2 =	simm.s32 @!p0 $0x1C02  }
0x38: {  	[timem:s3], [sflag:s2] =	dma.local @!p0 [hbm:s0], s1  }
0x39: {  	s0 =	simm.s32 @!p0 $0x2  }
0x3a: {  	_ =	swait.ge @!p0 [sflag:s0], s1  }
0x3b: {  	s1 =	ssub.s32 @!p0 $0x0, s1;
	[sflag:s0] =	ssyncset.done @!p0 $0x0  }
0x3c: {  	[sflag:s0] =	ssyncadd.s32 @!p0 s1  }
0x3d: {  	[bflag:$0x3] =	sbarrier.arrive $0xFFFF  }
0x3e: {  	_ =	shalt  }

</sc_bundles>
